<compile_context>
chip_gen: v7x
topology: tpu7x:2x2x1
jax: 0.10.2.dev20260603
libtpu: 0.0.44.dev20260713+nightly
codegen_flags: <defaults>
</compile_context>

<pallas_src>
import functools

import jax
import jax.numpy as jnp
from jax import lax
from jax.experimental import pallas as pl
from jax.experimental.pallas import tpu as pltpu
from jax.experimental.pallas import tpu_sc as plsc

N = 10000
E = 320000
D = 128

ROWS = 2000
NB = N // ROWS
NSC = 2
NTILES = 16
CHUNK = 128
GCH = 16
GROUPS = 10
PER_TILE = GROUPS * GCH * CHUNK
E_PAD = NTILES * PER_TILE
ACC_ROWS = N + 16
STRIPE = 624


def _matT(x, W):
    return lax.dot_general(x, W, (((1,), (1,)), ((), ())),
                           preferred_element_type=jnp.float32)


def _pre_body(x_ref, w1, b1, w2, b2, w3, b3, h_ref, cmax_ref):
    i = pl.program_id(0)
    h = jnp.maximum(_matT(x_ref[...], w1[...]) + b1[...], 0.0)
    h = jnp.maximum(_matT(h, w2[...]) + b2[...], 0.0)
    h = jnp.maximum(_matT(h, w3[...]) + b3[...], 0.0)
    h_ref[...] = h
    m8 = jnp.broadcast_to(jnp.max(h, axis=0, keepdims=True), (8, D))

    @pl.when(i == 0)
    def _():
        cmax_ref[...] = m8

    @pl.when(i > 0)
    def _():
        cmax_ref[...] = jnp.maximum(cmax_ref[...], m8)


def _pre(x, w1, b1, w2, b2, w3, b3):
    full = pl.BlockSpec((D, D), lambda i: (0, 0))
    bias = pl.BlockSpec((1, D), lambda i: (0, 0))
    return pl.pallas_call(
        _pre_body,
        grid=(NB,),
        in_specs=[pl.BlockSpec((ROWS, D), lambda i: (i, 0)),
                  full, bias, full, bias, full, bias],
        out_specs=[pl.BlockSpec((ROWS, D), lambda i: (i, 0)),
                   pl.BlockSpec((8, D), lambda i: (0, 0))],
        out_shape=[jax.ShapeDtypeStruct((N, D), jnp.float32),
                   jax.ShapeDtypeStruct((8, D), jnp.float32)],
    )(x, w1, b1, w2, b2, w3, b3)


def _pq_body(h_ref, cmax_ref, t_ref):
    p = pl.program_id(0)
    h = h_ref[...]
    e = jnp.exp(h - cmax_ref[0:1, :])
    t_ref[...] = jnp.where(p == 0, e, e * h)


def _pq(h, cmax):
    return pl.pallas_call(
        _pq_body,
        grid=(2, NB),
        in_specs=[pl.BlockSpec((ROWS, D), lambda p, i: (i, 0)),
                  pl.BlockSpec((8, D), lambda p, i: (0, 0))],
        out_specs=pl.BlockSpec((ROWS, D), lambda p, i: (p * NB + i, 0)),
        out_shape=jax.ShapeDtypeStruct((2 * N, D), jnp.float32),
    )(h, cmax)


def _seg_sums(T, src4, dst3, zeros):
    mesh = plsc.VectorSubcoreMesh(core_axis_name="c", subcore_axis_name="s")

    @functools.partial(
        pl.kernel,
        out_type=jax.ShapeDtypeStruct((NSC, N, D), jnp.float32),
        mesh=mesh,
        scratch_types=[
            pltpu.VMEM_SHARED((ACC_ROWS, D), jnp.float32),
            pltpu.VMEM((GCH, CHUNK), jnp.int32),
            pltpu.VMEM((GCH, CHUNK), jnp.int32),
            pltpu.VMEM((CHUNK, D), jnp.float32),
        ],
    )
    def k(t_hbm, src_hbm, dst_hbm, z_hbm, out_hbm, accum, srcb, dstb, rows):
        c = lax.axis_index("c")
        s = lax.axis_index("s")

        @pl.when(s < NTILES - 1)
        def _():
            pltpu.sync_copy(z_hbm.at[pl.ds(0, STRIPE)],
                            accum.at[pl.ds(s * STRIPE, STRIPE)])

        @pl.when(s == NTILES - 1)
        def _():
            pltpu.sync_copy(z_hbm,
                            accum.at[pl.ds((NTILES - 1) * STRIPE,
                                           ACC_ROWS - (NTILES - 1) * STRIPE)])

        plsc.subcore_barrier()

        @pl.loop(0, GROUPS)
        def _(g):
            pltpu.sync_copy(src_hbm.at[c, s, pl.ds(g * GCH, GCH)], srcb)
            pltpu.sync_copy(dst_hbm.at[s, pl.ds(g * GCH, GCH)], dstb)

            @pl.loop(0, GCH)
            def _(j):
                pltpu.sync_copy(t_hbm.at[srcb.at[j]], rows)
                pltpu.sync_copy(rows, accum.at[dstb.at[j]], add=True)

        plsc.subcore_barrier()

        @pl.when(s < NTILES - 1)
        def _():
            pltpu.sync_copy(accum.at[pl.ds(s * STRIPE, STRIPE)],
                            out_hbm.at[c, pl.ds(s * STRIPE, STRIPE)])

        @pl.when(s == NTILES - 1)
        def _():
            tail0 = (NTILES - 1) * STRIPE
            pltpu.sync_copy(accum.at[pl.ds(tail0, N - tail0)],
                            out_hbm.at[c, pl.ds(tail0, N - tail0)])

    return k(T, src4, dst3, zeros)


def _combine_body(den_ref, num_ref, h_ref, wl, bl, wr, y_ref, cmax_ref):
    i = pl.program_id(0)
    aggr = num_ref[0] / (den_ref[0] + 1e-16)
    y = _matT(aggr, wl[...]) + bl[...] + _matT(h_ref[...], wr[...])
    y = jnp.maximum(y, 0.0)
    y_ref[...] = y
    m8 = jnp.broadcast_to(jnp.max(y, axis=0, keepdims=True), (8, D))

    @pl.when(i == 0)
    def _():
        cmax_ref[...] = m8

    @pl.when(i > 0)
    def _():
        cmax_ref[...] = jnp.maximum(cmax_ref[...], m8)


def _combine(sums, h, wl, bl, wr):
    full = pl.BlockSpec((D, D), lambda i: (0, 0))
    bias = pl.BlockSpec((1, D), lambda i: (0, 0))
    return pl.pallas_call(
        _combine_body,
        grid=(NB,),
        in_specs=[pl.BlockSpec((1, ROWS, D), lambda i: (0, i, 0)),
                  pl.BlockSpec((1, ROWS, D), lambda i: (1, i, 0)),
                  pl.BlockSpec((ROWS, D), lambda i: (i, 0)),
                  full, bias, full],
        out_specs=[pl.BlockSpec((ROWS, D), lambda i: (i, 0)),
                   pl.BlockSpec((8, D), lambda i: (0, 0))],
        out_shape=[jax.ShapeDtypeStruct((N, D), jnp.float32),
                   jax.ShapeDtypeStruct((8, D), jnp.float32)],
    )(sums, sums, h, wl, bl, wr)


def _final_body(den_ref, num_ref, h_ref, wl, bl, wr,
                w1, b1, w2, b2, w3, b3, o_ref):
    aggr = num_ref[0] / (den_ref[0] + 1e-16)
    y = _matT(aggr, wl[...]) + bl[...] + _matT(h_ref[...], wr[...])
    y = jnp.maximum(y, 0.0)
    y = jnp.maximum(_matT(y, w1[...]) + b1[...], 0.0)
    y = jnp.maximum(_matT(y, w2[...]) + b2[...], 0.0)
    o_ref[...] = jnp.tanh(_matT(y, w3[...]) + b3[...])


def _final(sums, h, wl, bl, wr, w1, b1, w2, b2, w3, b3):
    full = pl.BlockSpec((D, D), lambda i: (0, 0))
    bias = pl.BlockSpec((1, D), lambda i: (0, 0))
    return pl.pallas_call(
        _final_body,
        grid=(NB,),
        in_specs=[pl.BlockSpec((1, ROWS, D), lambda i: (0, i, 0)),
                  pl.BlockSpec((1, ROWS, D), lambda i: (1, i, 0)),
                  pl.BlockSpec((ROWS, D), lambda i: (i, 0)),
                  full, bias, full, full, bias, full, bias, full, bias],
        out_specs=pl.BlockSpec((ROWS, D), lambda i: (i, 0)),
        out_shape=jax.ShapeDtypeStruct((N, D), jnp.float32),
    )(sums, sums, h, wl, bl, wr, w1, b1, w2, b2, w3, b3)


def kernel(feature_data, edge_info,
           W_pre1, b_pre1, W_pre2, b_pre2, W_pre3, b_pre3,
           Wl1, bl1, Wr1, Wl2, bl2, Wr2, Wl3, bl3, Wr3,
           W_post1, b_post1, W_post2, b_post2, W_post3, b_post3):
    def r(b):
        return b.reshape(1, D)

    npad = E_PAD - E
    src = jnp.concatenate([edge_info[0], jnp.zeros((npad,), jnp.int32)])
    dst = jnp.concatenate([edge_info[1], jnp.full((npad,), N, jnp.int32)])
    src4 = jnp.stack([src, src + N]).reshape(NSC, NTILES, GROUPS * GCH, CHUNK)
    dst3 = dst.reshape(NTILES, GROUPS * GCH, CHUNK)
    zeros = jnp.zeros((ACC_ROWS - (NTILES - 1) * STRIPE, D), jnp.float32)

    h, cmax = _pre(feature_data, W_pre1, r(b_pre1),
                   W_pre2, r(b_pre2), W_pre3, r(b_pre3))

    sage = [(Wl1, bl1, Wr1), (Wl2, bl2, Wr2), (Wl3, bl3, Wr3)]
    for layer, (wl, bl, wr) in enumerate(sage):
        T = _pq(h, cmax)
        sums = _seg_sums(T, src4, dst3, zeros)
        if layer < 2:
            h, cmax = _combine(sums, h, wl, r(bl), wr)
        else:
            out = _final(sums, h, wl, r(bl), wr,
                         W_post1, r(b_post1), W_post2, r(b_post2),
                         W_post3, r(b_post3))
    return out

# --- scband reference (transcript-rebuilt; emitter-appended) ---
"""Pipeline reference for scband-custom-gnn-12068858102316 (READ-ONLY COPY).

The authoritative reference and input builder live on the scoring server;
editing this copy changes nothing except your own understanding.
"""

import jax, jax.numpy as jnp
import numpy as np

N = 10000
E = 320000
D = 128

def _lin(x, W, b):
    return x @ W.T + b

def _sage(x, src, dst, Wl, bl, Wr):
    # PyG SAGEConv with SoftmaxAggregation(t=1.0, learn=False):
    # message m_j = x[src]; per-dst, per-channel softmax weights; out = lin_l(aggr) + lin_r(x)
    m = x[src]
    mx = jax.ops.segment_max(m, dst, num_segments=N)
    mx = jnp.where(jnp.isfinite(mx), mx, 0.0)
    e = jnp.exp(m - mx[dst])
    den = jax.ops.segment_sum(e, dst, num_segments=N)
    alpha = e / (den[dst] + 1e-16)
    aggr = jax.ops.segment_sum(alpha * m, dst, num_segments=N)
    return aggr @ Wl.T + bl + x @ Wr.T

def _forward(feature_data, src, dst, p):
    # dropout layers are identity in eval mode (training=False)
    x = jax.nn.relu(_lin(feature_data, p['W_pre1'], p['b_pre1']))
    x = jax.nn.relu(_lin(x, p['W_pre2'], p['b_pre2']))
    x = jax.nn.relu(_lin(x, p['W_pre3'], p['b_pre3']))
    x = jax.nn.relu(_sage(x, src, dst, p['Wl1'], p['bl1'], p['Wr1']))
    x = jax.nn.relu(_sage(x, src, dst, p['Wl2'], p['bl2'], p['Wr2']))
    x = jax.nn.relu(_sage(x, src, dst, p['Wl3'], p['bl3'], p['Wr3']))
    x = jax.nn.relu(_lin(x, p['W_post1'], p['b_post1']))
    x = jax.nn.relu(_lin(x, p['W_post2'], p['b_post2']))
    x = jnp.tanh(_lin(x, p['W_post3'], p['b_post3']))
    return x

def setup_inputs(seed=0):
    key = jax.random.key(seed)
    keys = jax.random.split(key, 16)
    s = 1.0 / np.sqrt(D)
    inp = {}
    inp['feature_data'] = jax.random.normal(keys[0], (N, D), dtype=jnp.float32)
    inp['edge_info'] = jax.random.randint(keys[1], (2, E), 0, N, dtype=jnp.int32)
    ki = 2
    for i in (1, 2, 3):
        inp['W_pre%d' % i] = jax.random.normal(keys[ki], (D, D), dtype=jnp.float32) * s
        inp['b_pre%d' % i] = jnp.zeros((D,), dtype=jnp.float32)
        ki += 1
    for i in (1, 2, 3):
        k1, k2 = jax.random.split(keys[ki])
        inp['Wl%d' % i] = jax.random.normal(k1, (D, D), dtype=jnp.float32) * s
        inp['bl%d' % i] = jnp.zeros((D,), dtype=jnp.float32)
        inp['Wr%d' % i] = jax.random.normal(k2, (D, D), dtype=jnp.float32) * s
        ki += 1
    for i in (1, 2, 3):
        inp['W_post%d' % i] = jax.random.normal(keys[ki], (D, D), dtype=jnp.float32) * s
        inp['b_post%d' % i] = jnp.zeros((D,), dtype=jnp.float32)
        ki += 1
    return inp

def reference(feature_data, edge_info,
              W_pre1, b_pre1, W_pre2, b_pre2, W_pre3, b_pre3,
              Wl1, bl1, Wr1, Wl2, bl2, Wr2, Wl3, bl3, Wr3,
              W_post1, b_post1, W_post2, b_post2, W_post3, b_post3):
    p = {
        'W_pre1': W_pre1, 'b_pre1': b_pre1,
        'W_pre2': W_pre2, 'b_pre2': b_pre2,
        'W_pre3': W_pre3, 'b_pre3': b_pre3,
        'Wl1': Wl1, 'bl1': bl1, 'Wr1': Wr1,
        'Wl2': Wl2, 'bl2': bl2, 'Wr2': Wr2,
        'Wl3': Wl3, 'bl3': bl3, 'Wr3': Wr3,
        'W_post1': W_post1, 'b_post1': b_post1,
        'W_post2': W_post2, 'b_post2': b_post2,
        'W_post3': W_post3, 'b_post3': b_post3,
    }
    src = edge_info[0]
    dst = edge_info[1]
    return _forward(feature_data, src, dst, p)

if __name__ == "__main__":
    import jax
    _d = setup_inputs()
    print(jax.jit(kernel)(*tuple(_d.values())))

</pallas_src>

<mosaic_0001>
#map = affine_map<(d0, d1) -> (0, 0)>
#map1 = affine_map<(d0, d1) -> (0, 0, 0, 0)>
#map2 = affine_map<(d0, d1) -> (0, 0, 0)>
module attributes {stable_mosaic.version = 14 : i64} {
  func.func @k(%arg0: i32, %arg1: i32, %arg2: memref<20000x128xf32, #tpu.memory_space<hbm>>, %arg3: memref<2x16x160x128xi32, #tpu.memory_space<hbm>>, %arg4: memref<16x160x128xi32, #tpu.memory_space<hbm>>, %arg5: memref<656x128xf32, #tpu.memory_space<hbm>>, %arg6: memref<2x10000x128xf32, #tpu.memory_space<hbm>>, %arg7: memref<10016x128xf32, #tpu.memory_space<vmem_shared>>, %arg8: memref<16x128xi32, #tpu.memory_space<vmem>>, %arg9: memref<16x128xi32, #tpu.memory_space<vmem>>, %arg10: memref<128x128xf32, #tpu.memory_space<vmem>>) attributes {dimension_semantics = [#tpu.dimension_semantics<core_parallel>, #tpu.dimension_semantics<subcore_parallel>], iteration_bounds = array<i64: 2, 16>, scalar_prefetch = 0 : i64, scratch_operands = 4 : i64, tpu.core_type = #tpu.core_type<sc_vector_subcore>, window_params = [{transform_indices = #map}, {transform_indices = #map1}, {transform_indices = #map2}, {transform_indices = #map}, {transform_indices = #map2}]} {
    %lt3A = arith.constant 15 : i32
    %lt3A_0 = arith.cmpi slt, %arg1, %lt3A : i32
    %convert_element_type3A = arith.extui %lt3A_0 : i1 to i32
    %cond3A = arith.constant 0 : i32
    %cond3A_1 = arith.cmpi ne, %convert_element_type3A, %cond3A : i32
    scf.if %cond3A_1 {
      %mul3A = arith.constant 624 : i32
      %mul3A_21 = arith.muli %arg1, %mul3A : i32
      "tpu.region"() ({
        %run_scoped3A = tpu.sem_alloc : memref<!tpu.dma_semaphore, #tpu.memory_space<semaphore_mem>>
        %dma_start3A = arith.constant 0 : i32
        %dma_start3A_22 = tpu.memref_slice %arg7[%mul3A_21, %dma_start3A] : memref<10016x128xf32, #tpu.memory_space<vmem_shared>> -> memref<624x128xf32, #tpu.memory_space<vmem_shared>>
        %dma_start3A_23 = arith.constant 0 : i32
        %dma_start3A_24 = arith.constant 0 : i32
        %dma_start3A_25 = tpu.memref_slice %arg5[%dma_start3A_23, %dma_start3A_24] : memref<656x128xf32, #tpu.memory_space<hbm>> -> memref<624x128xf32, #tpu.memory_space<hbm>>
        tpu.enqueue_dma source(%dma_start3A_25 : memref<624x128xf32, #tpu.memory_space<hbm>>) target(%dma_start3A_22 : memref<624x128xf32, #tpu.memory_space<vmem_shared>>) target_semaphore(%run_scoped3A : memref<!tpu.dma_semaphore, #tpu.memory_space<semaphore_mem>>)
        %dma_wait3A = arith.constant 0 : i32
        %dma_wait3A_26 = tpu.memref_slice %arg7[%mul3A_21, %dma_wait3A] : memref<10016x128xf32, #tpu.memory_space<vmem_shared>> -> memref<624x128xf32, #tpu.memory_space<vmem_shared>>
        %dma_wait3A_27 = arith.constant 0 : i32
        %dma_wait3A_28 = arith.constant 0 : i32
        %dma_wait3A_29 = tpu.memref_slice %arg5[%dma_wait3A_27, %dma_wait3A_28] : memref<656x128xf32, #tpu.memory_space<hbm>> -> memref<624x128xf32, #tpu.memory_space<hbm>>
        tpu.wait_dma2 semaphore(%run_scoped3A : memref<!tpu.dma_semaphore, #tpu.memory_space<semaphore_mem>>) src(%dma_wait3A_29 : memref<624x128xf32, #tpu.memory_space<hbm>>) dst(%dma_wait3A_26 : memref<624x128xf32, #tpu.memory_space<vmem_shared>>)
        tpu.yield
      }) : () -> ()
    } else {
    }
    %eq3A = arith.constant 15 : i32
    %eq3A_2 = arith.cmpi eq, %arg1, %eq3A : i32
    %convert_element_type3A_3 = arith.extui %eq3A_2 : i1 to i32
    %cond3A_4 = arith.constant 0 : i32
    %cond3A_5 = arith.cmpi ne, %convert_element_type3A_3, %cond3A_4 : i32
    scf.if %cond3A_5 {
      "tpu.region"() ({
        %run_scoped3A = tpu.sem_alloc : memref<!tpu.dma_semaphore, #tpu.memory_space<semaphore_mem>>
        %dma_start3A = arith.constant 9360 : i32
        %dma_start3A_21 = arith.constant 0 : i32
        %dma_start3A_22 = tpu.memref_slice %arg7[%dma_start3A, %dma_start3A_21] : memref<10016x128xf32, #tpu.memory_space<vmem_shared>> -> memref<656x128xf32, #tpu.memory_space<vmem_shared>>
        tpu.enqueue_dma source(%arg5 : memref<656x128xf32, #tpu.memory_space<hbm>>) target(%dma_start3A_22 : memref<656x128xf32, #tpu.memory_space<vmem_shared>>) target_semaphore(%run_scoped3A : memref<!tpu.dma_semaphore, #tpu.memory_space<semaphore_mem>>)
        %dma_wait3A = arith.constant 9360 : i32
        %dma_wait3A_23 = arith.constant 0 : i32
        %dma_wait3A_24 = tpu.memref_slice %arg7[%dma_wait3A, %dma_wait3A_23] : memref<10016x128xf32, #tpu.memory_space<vmem_shared>> -> memref<656x128xf32, #tpu.memory_space<vmem_shared>>
        tpu.wait_dma2 semaphore(%run_scoped3A : memref<!tpu.dma_semaphore, #tpu.memory_space<semaphore_mem>>) src(%arg5 : memref<656x128xf32, #tpu.memory_space<hbm>>) dst(%dma_wait3A_24 : memref<656x128xf32, #tpu.memory_space<vmem_shared>>)
        tpu.yield
      }) : () -> ()
    } else {
    }
    %barrier3A = arith.constant 0 : index
    tpu.barrier barrier_id(%barrier3A)
    %scan3A = arith.constant 0 : i32
    %scan3A_6 = arith.constant 10 : i32
    %scan3A_7 = arith.addi %scan3A, %scan3A_6 : i32
    %scan3A_8 = arith.constant 1 : i32
    scf.for %scan3A_21 = %scan3A to %scan3A_7 step %scan3A_8  : i32 {
      %mul3A = arith.constant 1 : i32
      %mul3A_22 = arith.muli %scan3A_21, %mul3A : i32
      %add3A = arith.constant 0 : i32
      %add3A_23 = arith.addi %add3A, %mul3A_22 : i32
      %mul3A_24 = arith.constant 16 : i32
      %mul3A_25 = arith.muli %add3A_23, %mul3A_24 : i32
      "tpu.region"() ({
        %run_scoped3A = tpu.sem_alloc : memref<!tpu.dma_semaphore, #tpu.memory_space<semaphore_mem>>
        %dma_start3A = arith.constant 0 : i32
        %dma_start3A_33 = tpu.memref_slice %arg3[%arg0, %arg1, %mul3A_25, %dma_start3A] : memref<2x16x160x128xi32, #tpu.memory_space<hbm>> -> memref<1x1x16x128xi32, #tpu.memory_space<hbm>>
        %dma_start3A_34 = tpu.memref_squeeze %dma_start3A_33 : memref<1x1x16x128xi32, #tpu.memory_space<hbm>> -> memref<16x128xi32, #tpu.memory_space<hbm>>
        %dma_start3A_35 = arith.constant 0 : i32
        %dma_start3A_36 = tpu.memref_slice %arg3[%arg0, %arg1, %mul3A_25, %dma_start3A_35] : memref<2x16x160x128xi32, #tpu.memory_space<hbm>> -> memref<1x1x16x128xi32, #tpu.memory_space<hbm>>
        %dma_start3A_37 = tpu.memref_squeeze %dma_start3A_36 : memref<1x1x16x128xi32, #tpu.memory_space<hbm>> -> memref<16x128xi32, #tpu.memory_space<hbm>>
        tpu.enqueue_dma source(%dma_start3A_37 : memref<16x128xi32, #tpu.memory_space<hbm>>) target(%arg8 : memref<16x128xi32, #tpu.memory_space<vmem>>) target_semaphore(%run_scoped3A : memref<!tpu.dma_semaphore, #tpu.memory_space<semaphore_mem>>)
        %dma_wait3A = arith.constant 0 : i32
        %dma_wait3A_38 = tpu.memref_slice %arg3[%arg0, %arg1, %mul3A_25, %dma_wait3A] : memref<2x16x160x128xi32, #tpu.memory_space<hbm>> -> memref<1x1x16x128xi32, #tpu.memory_space<hbm>>
        %dma_wait3A_39 = tpu.memref_squeeze %dma_wait3A_38 : memref<1x1x16x128xi32, #tpu.memory_space<hbm>> -> memref<16x128xi32, #tpu.memory_space<hbm>>
        %dma_wait3A_40 = arith.constant 0 : i32
        %dma_wait3A_41 = tpu.memref_slice %arg3[%arg0, %arg1, %mul3A_25, %dma_wait3A_40] : memref<2x16x160x128xi32, #tpu.memory_space<hbm>> -> memref<1x1x16x128xi32, #tpu.memory_space<hbm>>
        %dma_wait3A_42 = tpu.memref_squeeze %dma_wait3A_41 : memref<1x1x16x128xi32, #tpu.memory_space<hbm>> -> memref<16x128xi32, #tpu.memory_space<hbm>>
        tpu.wait_dma2 semaphore(%run_scoped3A : memref<!tpu.dma_semaphore, #tpu.memory_space<semaphore_mem>>) src(%dma_wait3A_42 : memref<16x128xi32, #tpu.memory_space<hbm>>) dst(%arg8 : memref<16x128xi32, #tpu.memory_space<vmem>>)
        tpu.yield
      }) : () -> ()
      %mul3A_26 = arith.constant 16 : i32
      %mul3A_27 = arith.muli %add3A_23, %mul3A_26 : i32
      "tpu.region"() ({
        %run_scoped3A = tpu.sem_alloc : memref<!tpu.dma_semaphore, #tpu.memory_space<semaphore_mem>>
        %dma_start3A = arith.constant 0 : i32
        %dma_start3A_33 = tpu.memref_slice %arg4[%arg1, %mul3A_27, %dma_start3A] : memref<16x160x128xi32, #tpu.memory_space<hbm>> -> memref<1x16x128xi32, #tpu.memory_space<hbm>>
        %dma_start3A_34 = tpu.memref_squeeze %dma_start3A_33 : memref<1x16x128xi32, #tpu.memory_space<hbm>> -> memref<16x128xi32, #tpu.memory_space<hbm>>
        %dma_start3A_35 = arith.constant 0 : i32
        %dma_start3A_36 = tpu.memref_slice %arg4[%arg1, %mul3A_27, %dma_start3A_35] : memref<16x160x128xi32, #tpu.memory_space<hbm>> -> memref<1x16x128xi32, #tpu.memory_space<hbm>>
        %dma_start3A_37 = tpu.memref_squeeze %dma_start3A_36 : memref<1x16x128xi32, #tpu.memory_space<hbm>> -> memref<16x128xi32, #tpu.memory_space<hbm>>
        tpu.enqueue_dma source(%dma_start3A_37 : memref<16x128xi32, #tpu.memory_space<hbm>>) target(%arg9 : memref<16x128xi32, #tpu.memory_space<vmem>>) target_semaphore(%run_scoped3A : memref<!tpu.dma_semaphore, #tpu.memory_space<semaphore_mem>>)
        %dma_wait3A = arith.constant 0 : i32
        %dma_wait3A_38 = tpu.memref_slice %arg4[%arg1, %mul3A_27, %dma_wait3A] : memref<16x160x128xi32, #tpu.memory_space<hbm>> -> memref<1x16x128xi32, #tpu.memory_space<hbm>>
        %dma_wait3A_39 = tpu.memref_squeeze %dma_wait3A_38 : memref<1x16x128xi32, #tpu.memory_space<hbm>> -> memref<16x128xi32, #tpu.memory_space<hbm>>
        %dma_wait3A_40 = arith.constant 0 : i32
        %dma_wait3A_41 = tpu.memref_slice %arg4[%arg1, %mul3A_27, %dma_wait3A_40] : memref<16x160x128xi32, #tpu.memory_space<hbm>> -> memref<1x16x128xi32, #tpu.memory_space<hbm>>
        %dma_wait3A_42 = tpu.memref_squeeze %dma_wait3A_41 : memref<1x16x128xi32, #tpu.memory_space<hbm>> -> memref<16x128xi32, #tpu.memory_space<hbm>>
        tpu.wait_dma2 semaphore(%run_scoped3A : memref<!tpu.dma_semaphore, #tpu.memory_space<semaphore_mem>>) src(%dma_wait3A_42 : memref<16x128xi32, #tpu.memory_space<hbm>>) dst(%arg9 : memref<16x128xi32, #tpu.memory_space<vmem>>)
        tpu.yield
      }) : () -> ()
      %scan3A_28 = arith.constant 0 : i32
      %scan3A_29 = arith.constant 16 : i32
      %scan3A_30 = arith.addi %scan3A_28, %scan3A_29 : i32
      %scan3A_31 = arith.constant 1 : i32
      scf.for %scan3A_33 = %scan3A_28 to %scan3A_30 step %scan3A_31  : i32 {
        %mul3A_34 = arith.constant 1 : i32
        %mul3A_35 = arith.muli %scan3A_33, %mul3A_34 : i32
        %add3A_36 = arith.constant 0 : i32
        %add3A_37 = arith.addi %add3A_36, %mul3A_35 : i32
        "tpu.region"() ({
          %run_scoped3A = tpu.sem_alloc : memref<!tpu.dma_semaphore, #tpu.memory_space<semaphore_mem>>
          %dma_start3A = arith.constant 0 : i32
          %dma_start3A_38 = tpu.memref_slice %arg8[%add3A_37, %dma_start3A] : memref<16x128xi32, #tpu.memory_space<vmem>> -> memref<1x128xi32, #tpu.memory_space<vmem>>
          %dma_start3A_39 = tpu.memref_squeeze %dma_start3A_38 : memref<1x128xi32, #tpu.memory_space<vmem>> -> memref<128xi32, #tpu.memory_space<vmem>>
          %dma_start3A_40 = arith.constant 0 : i32
          %dma_start3A_41 = arith.constant 0 : i32
          %dma_start3A_42 = tpu.memref_slice %arg2[%dma_start3A_40, %dma_start3A_41] : memref<20000x128xf32, #tpu.memory_space<hbm>> -> memref<20000x128xf32, #tpu.memory_space<hbm>>
          tpu.enqueue_indirect_dma source(%dma_start3A_42 : memref<20000x128xf32, #tpu.memory_space<hbm>>) target(%arg10 : memref<128x128xf32, #tpu.memory_space<vmem>>) offsets(%dma_start3A_39 : memref<128xi32, #tpu.memory_space<vmem>>) semaphore(%run_scoped3A : memref<!tpu.dma_semaphore, #tpu.memory_space<semaphore_mem>>)
          %dma_wait3A = arith.constant 0 : i32
          %dma_wait3A_43 = tpu.memref_slice %arg8[%add3A_37, %dma_wait3A] : memref<16x128xi32, #tpu.memory_space<vmem>> -> memref<1x128xi32, #tpu.memory_space<vmem>>
          %dma_wait3A_44 = tpu.memref_squeeze %dma_wait3A_43 : memref<1x128xi32, #tpu.memory_space<vmem>> -> memref<128xi32, #tpu.memory_space<vmem>>
          %dma_wait3A_45 = arith.constant 0 : i32
          %dma_wait3A_46 = arith.constant 0 : i32
          %dma_wait3A_47 = tpu.memref_slice %arg2[%dma_wait3A_45, %dma_wait3A_46] : memref<20000x128xf32, #tpu.memory_space<hbm>> -> memref<20000x128xf32, #tpu.memory_space<hbm>>
          tpu.wait_indirect_dma semaphore(%run_scoped3A : memref<!tpu.dma_semaphore, #tpu.memory_space<semaphore_mem>>) src(%dma_wait3A_47 : memref<20000x128xf32, #tpu.memory_space<hbm>>) dst(%arg10 : memref<128x128xf32, #tpu.memory_space<vmem>>)
          tpu.yield
        }) : () -> ()
        "tpu.region"() ({
          %run_scoped3A = tpu.sem_alloc : memref<!tpu.dma_semaphore, #tpu.memory_space<semaphore_mem>>
          %dma_start3A = arith.constant 0 : i32
          %dma_start3A_38 = tpu.memref_slice %arg9[%add3A_37, %dma_start3A] : memref<16x128xi32, #tpu.memory_space<vmem>> -> memref<1x128xi32, #tpu.memory_space<vmem>>
          %dma_start3A_39 = tpu.memref_squeeze %dma_start3A_38 : memref<1x128xi32, #tpu.memory_space<vmem>> -> memref<128xi32, #tpu.memory_space<vmem>>
          %dma_start3A_40 = arith.constant 0 : i32
          %dma_start3A_41 = arith.constant 0 : i32
          %dma_start3A_42 = tpu.memref_slice %arg7[%dma_start3A_40, %dma_start3A_41] : memref<10016x128xf32, #tpu.memory_space<vmem_shared>> -> memref<10016x128xf32, #tpu.memory_space<vmem_shared>>
          tpu.enqueue_indirect_dma source(%arg10 : memref<128x128xf32, #tpu.memory_space<vmem>>) target(%dma_start3A_42 : memref<10016x128xf32, #tpu.memory_space<vmem_shared>>) offsets(%dma_start3A_39 : memref<128xi32, #tpu.memory_space<vmem>>) semaphore(%run_scoped3A : memref<!tpu.dma_semaphore, #tpu.memory_space<semaphore_mem>>) {add = true}
          %dma_wait3A = arith.constant 0 : i32
          %dma_wait3A_43 = tpu.memref_slice %arg9[%add3A_37, %dma_wait3A] : memref<16x128xi32, #tpu.memory_space<vmem>> -> memref<1x128xi32, #tpu.memory_space<vmem>>
          %dma_wait3A_44 = tpu.memref_squeeze %dma_wait3A_43 : memref<1x128xi32, #tpu.memory_space<vmem>> -> memref<128xi32, #tpu.memory_space<vmem>>
          %dma_wait3A_45 = arith.constant 0 : i32
          %dma_wait3A_46 = arith.constant 0 : i32
          %dma_wait3A_47 = tpu.memref_slice %arg7[%dma_wait3A_45, %dma_wait3A_46] : memref<10016x128xf32, #tpu.memory_space<vmem_shared>> -> memref<10016x128xf32, #tpu.memory_space<vmem_shared>>
          tpu.wait_indirect_dma semaphore(%run_scoped3A : memref<!tpu.dma_semaphore, #tpu.memory_space<semaphore_mem>>) src(%arg10 : memref<128x128xf32, #tpu.memory_space<vmem>>) dst(%dma_wait3A_47 : memref<10016x128xf32, #tpu.memory_space<vmem_shared>>)
          tpu.yield
        }) : () -> ()
      }
      %scan3A_32 = arith.constant 16 : i32
    }
    %scan3A_9 = arith.constant 10 : i32
    %barrier3A_10 = arith.constant 0 : index
    tpu.barrier barrier_id(%barrier3A_10)
    %lt3A_11 = arith.constant 15 : i32
    %lt3A_12 = arith.cmpi slt, %arg1, %lt3A_11 : i32
    %convert_element_type3A_13 = arith.extui %lt3A_12 : i1 to i32
    %cond3A_14 = arith.constant 0 : i32
    %cond3A_15 = arith.cmpi ne, %convert_element_type3A_13, %cond3A_14 : i32
    scf.if %cond3A_15 {
      %mul3A = arith.constant 624 : i32
      %mul3A_21 = arith.muli %arg1, %mul3A : i32
      %mul3A_22 = arith.constant 624 : i32
      %mul3A_23 = arith.muli %arg1, %mul3A_22 : i32
      "tpu.region"() ({
        %run_scoped3A = tpu.sem_alloc : memref<!tpu.dma_semaphore, #tpu.memory_space<semaphore_mem>>
        %dma_start3A = arith.constant 0 : i32
        %dma_start3A_24 = tpu.memref_slice %arg6[%arg0, %mul3A_23, %dma_start3A] : memref<2x10000x128xf32, #tpu.memory_space<hbm>> -> memref<1x624x128xf32, #tpu.memory_space<hbm>>
        %dma_start3A_25 = tpu.memref_squeeze %dma_start3A_24 : memref<1x624x128xf32, #tpu.memory_space<hbm>> -> memref<624x128xf32, #tpu.memory_space<hbm>>
        %dma_start3A_26 = arith.constant 0 : i32
        %dma_start3A_27 = tpu.memref_slice %arg7[%mul3A_21, %dma_start3A_26] : memref<10016x128xf32, #tpu.memory_space<vmem_shared>> -> memref<624x128xf32, #tpu.memory_space<vmem_shared>>
        tpu.enqueue_dma source(%dma_start3A_27 : memref<624x128xf32, #tpu.memory_space<vmem_shared>>) target(%dma_start3A_25 : memref<624x128xf32, #tpu.memory_space<hbm>>) target_semaphore(%run_scoped3A : memref<!tpu.dma_semaphore, #tpu.memory_space<semaphore_mem>>)
        %dma_wait3A = arith.constant 0 : i32
        %dma_wait3A_28 = tpu.memref_slice %arg6[%arg0, %mul3A_23, %dma_wait3A] : memref<2x10000x128xf32, #tpu.memory_space<hbm>> -> memref<1x624x128xf32, #tpu.memory_space<hbm>>
        %dma_wait3A_29 = tpu.memref_squeeze %dma_wait3A_28 : memref<1x624x128xf32, #tpu.memory_space<hbm>> -> memref<624x128xf32, #tpu.memory_space<hbm>>
        %dma_wait3A_30 = arith.constant 0 : i32
        %dma_wait3A_31 = tpu.memref_slice %arg7[%mul3A_21, %dma_wait3A_30] : memref<10016x128xf32, #tpu.memory_space<vmem_shared>> -> memref<624x128xf32, #tpu.memory_space<vmem_shared>>
        tpu.wait_dma2 semaphore(%run_scoped3A : memref<!tpu.dma_semaphore, #tpu.memory_space<semaphore_mem>>) src(%dma_wait3A_31 : memref<624x128xf32, #tpu.memory_space<vmem_shared>>) dst(%dma_wait3A_29 : memref<624x128xf32, #tpu.memory_space<hbm>>)
        tpu.yield
      }) : () -> ()
    } else {
    }
    %eq3A_16 = arith.constant 15 : i32
    %eq3A_17 = arith.cmpi eq, %arg1, %eq3A_16 : i32
    %convert_element_type3A_18 = arith.extui %eq3A_17 : i1 to i32
    %cond3A_19 = arith.constant 0 : i32
    %cond3A_20 = arith.cmpi ne, %convert_element_type3A_18, %cond3A_19 : i32
    scf.if %cond3A_20 {
      "tpu.region"() ({
        %run_scoped3A = tpu.sem_alloc : memref<!tpu.dma_semaphore, #tpu.memory_space<semaphore_mem>>
        %dma_start3A = arith.constant 9360 : i32
        %dma_start3A_21 = arith.constant 0 : i32
        %dma_start3A_22 = tpu.memref_slice %arg6[%arg0, %dma_start3A, %dma_start3A_21] : memref<2x10000x128xf32, #tpu.memory_space<hbm>> -> memref<1x640x128xf32, #tpu.memory_space<hbm>>
        %dma_start3A_23 = tpu.memref_squeeze %dma_start3A_22 : memref<1x640x128xf32, #tpu.memory_space<hbm>> -> memref<640x128xf32, #tpu.memory_space<hbm>>
        %dma_start3A_24 = arith.constant 9360 : i32
        %dma_start3A_25 = arith.constant 0 : i32
        %dma_start3A_26 = tpu.memref_slice %arg7[%dma_start3A_24, %dma_start3A_25] : memref<10016x128xf32, #tpu.memory_space<vmem_shared>> -> memref<640x128xf32, #tpu.memory_space<vmem_shared>>
        tpu.enqueue_dma source(%dma_start3A_26 : memref<640x128xf32, #tpu.memory_space<vmem_shared>>) target(%dma_start3A_23 : memref<640x128xf32, #tpu.memory_space<hbm>>) target_semaphore(%run_scoped3A : memref<!tpu.dma_semaphore, #tpu.memory_space<semaphore_mem>>)
        %dma_wait3A = arith.constant 9360 : i32
        %dma_wait3A_27 = arith.constant 0 : i32
        %dma_wait3A_28 = tpu.memref_slice %arg6[%arg0, %dma_wait3A, %dma_wait3A_27] : memref<2x10000x128xf32, #tpu.memory_space<hbm>> -> memref<1x640x128xf32, #tpu.memory_space<hbm>>
        %dma_wait3A_29 = tpu.memref_squeeze %dma_wait3A_28 : memref<1x640x128xf32, #tpu.memory_space<hbm>> -> memref<640x128xf32, #tpu.memory_space<hbm>>
        %dma_wait3A_30 = arith.constant 9360 : i32
        %dma_wait3A_31 = arith.constant 0 : i32
        %dma_wait3A_32 = tpu.memref_slice %arg7[%dma_wait3A_30, %dma_wait3A_31] : memref<10016x128xf32, #tpu.memory_space<vmem_shared>> -> memref<640x128xf32, #tpu.memory_space<vmem_shared>>
        tpu.wait_dma2 semaphore(%run_scoped3A : memref<!tpu.dma_semaphore, #tpu.memory_space<semaphore_mem>>) src(%dma_wait3A_32 : memref<640x128xf32, #tpu.memory_space<vmem_shared>>) dst(%dma_wait3A_29 : memref<640x128xf32, #tpu.memory_space<hbm>>)
        tpu.yield
      }) : () -> ()
    } else {
    }
    return
  }
}

#map = affine_map<(d0, d1) -> (0, 0)>
#map1 = affine_map<(d0, d1) -> (0, 0, 0, 0)>
#map2 = affine_map<(d0, d1) -> (0, 0, 0)>
module attributes {stable_mosaic.version = 14 : i64} {
  func.func @k(%arg0: i32, %arg1: i32, %arg2: memref<20000x128xf32, #tpu.memory_space<hbm>>, %arg3: memref<2x16x160x128xi32, #tpu.memory_space<hbm>>, %arg4: memref<16x160x128xi32, #tpu.memory_space<hbm>>, %arg5: memref<656x128xf32, #tpu.memory_space<hbm>>, %arg6: memref<2x10000x128xf32, #tpu.memory_space<hbm>>, %arg7: memref<10016x128xf32, #tpu.memory_space<vmem_shared>>, %arg8: memref<16x128xi32, #tpu.memory_space<vmem>>, %arg9: memref<16x128xi32, #tpu.memory_space<vmem>>, %arg10: memref<128x128xf32, #tpu.memory_space<vmem>>) attributes {dimension_semantics = [#tpu.dimension_semantics<core_parallel>, #tpu.dimension_semantics<subcore_parallel>], iteration_bounds = array<i64: 2, 16>, scalar_prefetch = 0 : i64, scratch_operands = 4 : i64, tpu.core_type = #tpu.core_type<sc_vector_subcore>, window_params = [{transform_indices = #map}, {transform_indices = #map1}, {transform_indices = #map2}, {transform_indices = #map}, {transform_indices = #map2}]} {
    %lt3A = arith.constant 15 : i32
    %lt3A_0 = arith.cmpi slt, %arg1, %lt3A : i32
    %convert_element_type3A = arith.extui %lt3A_0 : i1 to i32
    %cond3A = arith.constant 0 : i32
    %cond3A_1 = arith.cmpi ne, %convert_element_type3A, %cond3A : i32
    scf.if %cond3A_1 {
      %mul3A = arith.constant 624 : i32
      %mul3A_21 = arith.muli %arg1, %mul3A : i32
      "tpu.region"() ({
        %run_scoped3A = tpu.sem_alloc : memref<!tpu.dma_semaphore, #tpu.memory_space<semaphore_mem>>
        %dma_start3A = arith.constant 0 : i32
        %dma_start3A_22 = tpu.memref_slice %arg7[%mul3A_21, %dma_start3A] : memref<10016x128xf32, #tpu.memory_space<vmem_shared>> -> memref<624x128xf32, #tpu.memory_space<vmem_shared>>
        %dma_start3A_23 = arith.constant 0 : i32
        %dma_start3A_24 = arith.constant 0 : i32
        %dma_start3A_25 = tpu.memref_slice %arg5[%dma_start3A_23, %dma_start3A_24] : memref<656x128xf32, #tpu.memory_space<hbm>> -> memref<624x128xf32, #tpu.memory_space<hbm>>
        tpu.enqueue_dma source(%dma_start3A_25 : memref<624x128xf32, #tpu.memory_space<hbm>>) target(%dma_start3A_22 : memref<624x128xf32, #tpu.memory_space<vmem_shared>>) target_semaphore(%run_scoped3A : memref<!tpu.dma_semaphore, #tpu.memory_space<semaphore_mem>>)
        %dma_wait3A = arith.constant 0 : i32
        %dma_wait3A_26 = tpu.memref_slice %arg7[%mul3A_21, %dma_wait3A] : memref<10016x128xf32, #tpu.memory_space<vmem_shared>> -> memref<624x128xf32, #tpu.memory_space<vmem_shared>>
        %dma_wait3A_27 = arith.constant 0 : i32
        %dma_wait3A_28 = arith.constant 0 : i32
        %dma_wait3A_29 = tpu.memref_slice %arg5[%dma_wait3A_27, %dma_wait3A_28] : memref<656x128xf32, #tpu.memory_space<hbm>> -> memref<624x128xf32, #tpu.memory_space<hbm>>
        tpu.wait_dma2 semaphore(%run_scoped3A : memref<!tpu.dma_semaphore, #tpu.memory_space<semaphore_mem>>) src(%dma_wait3A_29 : memref<624x128xf32, #tpu.memory_space<hbm>>) dst(%dma_wait3A_26 : memref<624x128xf32, #tpu.memory_space<vmem_shared>>)
        tpu.yield
      }) : () -> ()
    } else {
    }
    %eq3A = arith.constant 15 : i32
    %eq3A_2 = arith.cmpi eq, %arg1, %eq3A : i32
    %convert_element_type3A_3 = arith.extui %eq3A_2 : i1 to i32
    %cond3A_4 = arith.constant 0 : i32
    %cond3A_5 = arith.cmpi ne, %convert_element_type3A_3, %cond3A_4 : i32
    scf.if %cond3A_5 {
      "tpu.region"() ({
        %run_scoped3A = tpu.sem_alloc : memref<!tpu.dma_semaphore, #tpu.memory_space<semaphore_mem>>
        %dma_start3A = arith.constant 9360 : i32
        %dma_start3A_21 = arith.constant 0 : i32
        %dma_start3A_22 = tpu.memref_slice %arg7[%dma_start3A, %dma_start3A_21] : memref<10016x128xf32, #tpu.memory_space<vmem_shared>> -> memref<656x128xf32, #tpu.memory_space<vmem_shared>>
        tpu.enqueue_dma source(%arg5 : memref<656x128xf32, #tpu.memory_space<hbm>>) target(%dma_start3A_22 : memref<656x128xf32, #tpu.memory_space<vmem_shared>>) target_semaphore(%run_scoped3A : memref<!tpu.dma_semaphore, #tpu.memory_space<semaphore_mem>>)
        %dma_wait3A = arith.constant 9360 : i32
        %dma_wait3A_23 = arith.constant 0 : i32
        %dma_wait3A_24 = tpu.memref_slice %arg7[%dma_wait3A, %dma_wait3A_23] : memref<10016x128xf32, #tpu.memory_space<vmem_shared>> -> memref<656x128xf32, #tpu.memory_space<vmem_shared>>
        tpu.wait_dma2 semaphore(%run_scoped3A : memref<!tpu.dma_semaphore, #tpu.memory_space<semaphore_mem>>) src(%arg5 : memref<656x128xf32, #tpu.memory_space<hbm>>) dst(%dma_wait3A_24 : memref<656x128xf32, #tpu.memory_space<vmem_shared>>)
        tpu.yield
      }) : () -> ()
    } else {
    }
    %barrier3A = arith.constant 0 : index
    tpu.barrier barrier_id(%barrier3A)
    %scan3A = arith.constant 0 : i32
    %scan3A_6 = arith.constant 10 : i32
    %scan3A_7 = arith.addi %scan3A, %scan3A_6 : i32
    %scan3A_8 = arith.constant 1 : i32
    scf.for %scan3A_21 = %scan3A to %scan3A_7 step %scan3A_8  : i32 {
      %mul3A = arith.constant 1 : i32
      %mul3A_22 = arith.muli %scan3A_21, %mul3A : i32
      %add3A = arith.constant 0 : i32
      %add3A_23 = arith.addi %add3A, %mul3A_22 : i32
      %mul3A_24 = arith.constant 16 : i32
      %mul3A_25 = arith.muli %add3A_23, %mul3A_24 : i32
      "tpu.region"() ({
        %run_scoped3A = tpu.sem_alloc : memref<!tpu.dma_semaphore, #tpu.memory_space<semaphore_mem>>
        %dma_start3A = arith.constant 0 : i32
        %dma_start3A_33 = tpu.memref_slice %arg3[%arg0, %arg1, %mul3A_25, %dma_start3A] : memref<2x16x160x128xi32, #tpu.memory_space<hbm>> -> memref<1x1x16x128xi32, #tpu.memory_space<hbm>>
        %dma_start3A_34 = tpu.memref_squeeze %dma_start3A_33 : memref<1x1x16x128xi32, #tpu.memory_space<hbm>> -> memref<16x128xi32, #tpu.memory_space<hbm>>
        %dma_start3A_35 = arith.constant 0 : i32
        %dma_start3A_36 = tpu.memref_slice %arg3[%arg0, %arg1, %mul3A_25, %dma_start3A_35] : memref<2x16x160x128xi32, #tpu.memory_space<hbm>> -> memref<1x1x16x128xi32, #tpu.memory_space<hbm>>
        %dma_start3A_37 = tpu.memref_squeeze %dma_start3A_36 : memref<1x1x16x128xi32, #tpu.memory_space<hbm>> -> memref<16x128xi32, #tpu.memory_space<hbm>>
        tpu.enqueue_dma source(%dma_start3A_37 : memref<16x128xi32, #tpu.memory_space<hbm>>) target(%arg8 : memref<16x128xi32, #tpu.memory_space<vmem>>) target_semaphore(%run_scoped3A : memref<!tpu.dma_semaphore, #tpu.memory_space<semaphore_mem>>)
        %dma_wait3A = arith.constant 0 : i32
        %dma_wait3A_38 = tpu.memref_slice %arg3[%arg0, %arg1, %mul3A_25, %dma_wait3A] : memref<2x16x160x128xi32, #tpu.memory_space<hbm>> -> memref<1x1x16x128xi32, #tpu.memory_space<hbm>>
        %dma_wait3A_39 = tpu.memref_squeeze %dma_wait3A_38 : memref<1x1x16x128xi32, #tpu.memory_space<hbm>> -> memref<16x128xi32, #tpu.memory_space<hbm>>
        %dma_wait3A_40 = arith.constant 0 : i32
        %dma_wait3A_41 = tpu.memref_slice %arg3[%arg0, %arg1, %mul3A_25, %dma_wait3A_40] : memref<2x16x160x128xi32, #tpu.memory_space<hbm>> -> memref<1x1x16x128xi32, #tpu.memory_space<hbm>>
        %dma_wait3A_42 = tpu.memref_squeeze %dma_wait3A_41 : memref<1x1x16x128xi32, #tpu.memory_space<hbm>> -> memref<16x128xi32, #tpu.memory_space<hbm>>
        tpu.wait_dma2 semaphore(%run_scoped3A : memref<!tpu.dma_semaphore, #tpu.memory_space<semaphore_mem>>) src(%dma_wait3A_42 : memref<16x128xi32, #tpu.memory_space<hbm>>) dst(%arg8 : memref<16x128xi32, #tpu.memory_space<vmem>>)
        tpu.yield
      }) : () -> ()
      %mul3A_26 = arith.constant 16 : i32
      %mul3A_27 = arith.muli %add3A_23, %mul3A_26 : i32
      "tpu.region"() ({
        %run_scoped3A = tpu.sem_alloc : memref<!tpu.dma_semaphore, #tpu.memory_space<semaphore_mem>>
        %dma_start3A = arith.constant 0 : i32
        %dma_start3A_33 = tpu.memref_slice %arg4[%arg1, %mul3A_27, %dma_start3A] : memref<16x160x128xi32, #tpu.memory_space<hbm>> -> memref<1x16x128xi32, #tpu.memory_space<hbm>>
        %dma_start3A_34 = tpu.memref_squeeze %dma_start3A_33 : memref<1x16x128xi32, #tpu.memory_space<hbm>> -> memref<16x128xi32, #tpu.memory_space<hbm>>
        %dma_start3A_35 = arith.constant 0 : i32
        %dma_start3A_36 = tpu.memref_slice %arg4[%arg1, %mul3A_27, %dma_start3A_35] : memref<16x160x128xi32, #tpu.memory_space<hbm>> -> memref<1x16x128xi32, #tpu.memory_space<hbm>>
        %dma_start3A_37 = tpu.memref_squeeze %dma_start3A_36 : memref<1x16x128xi32, #tpu.memory_space<hbm>> -> memref<16x128xi32, #tpu.memory_space<hbm>>
        tpu.enqueue_dma source(%dma_start3A_37 : memref<16x128xi32, #tpu.memory_space<hbm>>) target(%arg9 : memref<16x128xi32, #tpu.memory_space<vmem>>) target_semaphore(%run_scoped3A : memref<!tpu.dma_semaphore, #tpu.memory_space<semaphore_mem>>)
        %dma_wait3A = arith.constant 0 : i32
        %dma_wait3A_38 = tpu.memref_slice %arg4[%arg1, %mul3A_27, %dma_wait3A] : memref<16x160x128xi32, #tpu.memory_space<hbm>> -> memref<1x16x128xi32, #tpu.memory_space<hbm>>
        %dma_wait3A_39 = tpu.memref_squeeze %dma_wait3A_38 : memref<1x16x128xi32, #tpu.memory_space<hbm>> -> memref<16x128xi32, #tpu.memory_space<hbm>>
        %dma_wait3A_40 = arith.constant 0 : i32
        %dma_wait3A_41 = tpu.memref_slice %arg4[%arg1, %mul3A_27, %dma_wait3A_40] : memref<16x160x128xi32, #tpu.memory_space<hbm>> -> memref<1x16x128xi32, #tpu.memory_space<hbm>>
        %dma_wait3A_42 = tpu.memref_squeeze %dma_wait3A_41 : memref<1x16x128xi32, #tpu.memory_space<hbm>> -> memref<16x128xi32, #tpu.memory_space<hbm>>
        tpu.wait_dma2 semaphore(%run_scoped3A : memref<!tpu.dma_semaphore, #tpu.memory_space<semaphore_mem>>) src(%dma_wait3A_42 : memref<16x128xi32, #tpu.memory_space<hbm>>) dst(%arg9 : memref<16x128xi32, #tpu.memory_space<vmem>>)
        tpu.yield
      }) : () -> ()
      %scan3A_28 = arith.constant 0 : i32
      %scan3A_29 = arith.constant 16 : i32
      %scan3A_30 = arith.addi %scan3A_28, %scan3A_29 : i32
      %scan3A_31 = arith.constant 1 : i32
      scf.for %scan3A_33 = %scan3A_28 to %scan3A_30 step %scan3A_31  : i32 {
        %mul3A_34 = arith.constant 1 : i32
        %mul3A_35 = arith.muli %scan3A_33, %mul3A_34 : i32
        %add3A_36 = arith.constant 0 : i32
        %add3A_37 = arith.addi %add3A_36, %mul3A_35 : i32
        "tpu.region"() ({
          %run_scoped3A = tpu.sem_alloc : memref<!tpu.dma_semaphore, #tpu.memory_space<semaphore_mem>>
          %dma_start3A = arith.constant 0 : i32
          %dma_start3A_38 = tpu.memref_slice %arg8[%add3A_37, %dma_start3A] : memref<16x128xi32, #tpu.memory_space<vmem>> -> memref<1x128xi32, #tpu.memory_space<vmem>>
          %dma_start3A_39 = tpu.memref_squeeze %dma_start3A_38 : memref<1x128xi32, #tpu.memory_space<vmem>> -> memref<128xi32, #tpu.memory_space<vmem>>
          %dma_start3A_40 = arith.constant 0 : i32
          %dma_start3A_41 = arith.constant 0 : i32
          %dma_start3A_42 = tpu.memref_slice %arg2[%dma_start3A_40, %dma_start3A_41] : memref<20000x128xf32, #tpu.memory_space<hbm>> -> memref<20000x128xf32, #tpu.memory_space<hbm>>
          tpu.enqueue_indirect_dma source(%dma_start3A_42 : memref<20000x128xf32, #tpu.memory_space<hbm>>) target(%arg10 : memref<128x128xf32, #tpu.memory_space<vmem>>) offsets(%dma_start3A_39 : memref<128xi32, #tpu.memory_space<vmem>>) semaphore(%run_scoped3A : memref<!tpu.dma_semaphore, #tpu.memory_space<semaphore_mem>>)
          %dma_wait3A = arith.constant 0 : i32
          %dma_wait3A_43 = tpu.memref_slice %arg8[%add3A_37, %dma_wait3A] : memref<16x128xi32, #tpu.memory_space<vmem>> -> memref<1x128xi32, #tpu.memory_space<vmem>>
          %dma_wait3A_44 = tpu.memref_squeeze %dma_wait3A_43 : memref<1x128xi32, #tpu.memory_space<vmem>> -> memref<128xi32, #tpu.memory_space<vmem>>
          %dma_wait3A_45 = arith.constant 0 : i32
          %dma_wait3A_46 = arith.constant 0 : i32
          %dma_wait3A_47 = tpu.memref_slice %arg2[%dma_wait3A_45, %dma_wait3A_46] : memref<20000x128xf32, #tpu.memory_space<hbm>> -> memref<20000x128xf32, #tpu.memory_space<hbm>>
          tpu.wait_indirect_dma semaphore(%run_scoped3A : memref<!tpu.dma_semaphore, #tpu.memory_space<semaphore_mem>>) src(%dma_wait3A_47 : memref<20000x128xf32, #tpu.memory_space<hbm>>) dst(%arg10 : memref<128x128xf32, #tpu.memory_space<vmem>>)
          tpu.yield
        }) : () -> ()
        "tpu.region"() ({
          %run_scoped3A = tpu.sem_alloc : memref<!tpu.dma_semaphore, #tpu.memory_space<semaphore_mem>>
          %dma_start3A = arith.constant 0 : i32
          %dma_start3A_38 = tpu.memref_slice %arg9[%add3A_37, %dma_start3A] : memref<16x128xi32, #tpu.memory_space<vmem>> -> memref<1x128xi32, #tpu.memory_space<vmem>>
          %dma_start3A_39 = tpu.memref_squeeze %dma_start3A_38 : memref<1x128xi32, #tpu.memory_space<vmem>> -> memref<128xi32, #tpu.memory_space<vmem>>
          %dma_start3A_40 = arith.constant 0 : i32
          %dma_start3A_41 = arith.constant 0 : i32
          %dma_start3A_42 = tpu.memref_slice %arg7[%dma_start3A_40, %dma_start3A_41] : memref<10016x128xf32, #tpu.memory_space<vmem_shared>> -> memref<10016x128xf32, #tpu.memory_space<vmem_shared>>
          tpu.enqueue_indirect_dma source(%arg10 : memref<128x128xf32, #tpu.memory_space<vmem>>) target(%dma_start3A_42 : memref<10016x128xf32, #tpu.memory_space<vmem_shared>>) offsets(%dma_start3A_39 : memref<128xi32, #tpu.memory_space<vmem>>) semaphore(%run_scoped3A : memref<!tpu.dma_semaphore, #tpu.memory_space<semaphore_mem>>) {add = true}
          %dma_wait3A = arith.constant 0 : i32
          %dma_wait3A_43 = tpu.memref_slice %arg9[%add3A_37, %dma_wait3A] : memref<16x128xi32, #tpu.memory_space<vmem>> -> memref<1x128xi32, #tpu.memory_space<vmem>>
          %dma_wait3A_44 = tpu.memref_squeeze %dma_wait3A_43 : memref<1x128xi32, #tpu.memory_space<vmem>> -> memref<128xi32, #tpu.memory_space<vmem>>
          %dma_wait3A_45 = arith.constant 0 : i32
          %dma_wait3A_46 = arith.constant 0 : i32
          %dma_wait3A_47 = tpu.memref_slice %arg7[%dma_wait3A_45, %dma_wait3A_46] : memref<10016x128xf32, #tpu.memory_space<vmem_shared>> -> memref<10016x128xf32, #tpu.memory_space<vmem_shared>>
          tpu.wait_indirect_dma semaphore(%run_scoped3A : memref<!tpu.dma_semaphore, #tpu.memory_space<semaphore_mem>>) src(%arg10 : memref<128x128xf32, #tpu.memory_space<vmem>>) dst(%dma_wait3A_47 : memref<10016x128xf32, #tpu.memory_space<vmem_shared>>)
          tpu.yield
        }) : () -> ()
      }
      %scan3A_32 = arith.constant 16 : i32
    }
    %scan3A_9 = arith.constant 10 : i32
    %barrier3A_10 = arith.constant 0 : index
    tpu.barrier barrier_id(%barrier3A_10)
    %lt3A_11 = arith.constant 15 : i32
    %lt3A_12 = arith.cmpi slt, %arg1, %lt3A_11 : i32
    %convert_element_type3A_13 = arith.extui %lt3A_12 : i1 to i32
    %cond3A_14 = arith.constant 0 : i32
    %cond3A_15 = arith.cmpi ne, %convert_element_type3A_13, %cond3A_14 : i32
    scf.if %cond3A_15 {
      %mul3A = arith.constant 624 : i32
      %mul3A_21 = arith.muli %arg1, %mul3A : i32
      %mul3A_22 = arith.constant 624 : i32
      %mul3A_23 = arith.muli %arg1, %mul3A_22 : i32
      "tpu.region"() ({
        %run_scoped3A = tpu.sem_alloc : memref<!tpu.dma_semaphore, #tpu.memory_space<semaphore_mem>>
        %dma_start3A = arith.constant 0 : i32
        %dma_start3A_24 = tpu.memref_slice %arg6[%arg0, %mul3A_23, %dma_start3A] : memref<2x10000x128xf32, #tpu.memory_space<hbm>> -> memref<1x624x128xf32, #tpu.memory_space<hbm>>
        %dma_start3A_25 = tpu.memref_squeeze %dma_start3A_24 : memref<1x624x128xf32, #tpu.memory_space<hbm>> -> memref<624x128xf32, #tpu.memory_space<hbm>>
        %dma_start3A_26 = arith.constant 0 : i32
        %dma_start3A_27 = tpu.memref_slice %arg7[%mul3A_21, %dma_start3A_26] : memref<10016x128xf32, #tpu.memory_space<vmem_shared>> -> memref<624x128xf32, #tpu.memory_space<vmem_shared>>
        tpu.enqueue_dma source(%dma_start3A_27 : memref<624x128xf32, #tpu.memory_space<vmem_shared>>) target(%dma_start3A_25 : memref<624x128xf32, #tpu.memory_space<hbm>>) target_semaphore(%run_scoped3A : memref<!tpu.dma_semaphore, #tpu.memory_space<semaphore_mem>>)
        %dma_wait3A = arith.constant 0 : i32
        %dma_wait3A_28 = tpu.memref_slice %arg6[%arg0, %mul3A_23, %dma_wait3A] : memref<2x10000x128xf32, #tpu.memory_space<hbm>> -> memref<1x624x128xf32, #tpu.memory_space<hbm>>
        %dma_wait3A_29 = tpu.memref_squeeze %dma_wait3A_28 : memref<1x624x128xf32, #tpu.memory_space<hbm>> -> memref<624x128xf32, #tpu.memory_space<hbm>>
        %dma_wait3A_30 = arith.constant 0 : i32
        %dma_wait3A_31 = tpu.memref_slice %arg7[%mul3A_21, %dma_wait3A_30] : memref<10016x128xf32, #tpu.memory_space<vmem_shared>> -> memref<624x128xf32, #tpu.memory_space<vmem_shared>>
        tpu.wait_dma2 semaphore(%run_scoped3A : memref<!tpu.dma_semaphore, #tpu.memory_space<semaphore_mem>>) src(%dma_wait3A_31 : memref<624x128xf32, #tpu.memory_space<vmem_shared>>) dst(%dma_wait3A_29 : memref<624x128xf32, #tpu.memory_space<hbm>>)
        tpu.yield
      }) : () -> ()
    } else {
    }
    %eq3A_16 = arith.constant 15 : i32
    %eq3A_17 = arith.cmpi eq, %arg1, %eq3A_16 : i32
    %convert_element_type3A_18 = arith.extui %eq3A_17 : i1 to i32
    %cond3A_19 = arith.constant 0 : i32
    %cond3A_20 = arith.cmpi ne, %convert_element_type3A_18, %cond3A_19 : i32
    scf.if %cond3A_20 {
      "tpu.region"() ({
        %run_scoped3A = tpu.sem_alloc : memref<!tpu.dma_semaphore, #tpu.memory_space<semaphore_mem>>
        %dma_start3A = arith.constant 9360 : i32
        %dma_start3A_21 = arith.constant 0 : i32
        %dma_start3A_22 = tpu.memref_slice %arg6[%arg0, %dma_start3A, %dma_start3A_21] : memref<2x10000x128xf32, #tpu.memory_space<hbm>> -> memref<1x640x128xf32, #tpu.memory_space<hbm>>
        %dma_start3A_23 = tpu.memref_squeeze %dma_start3A_22 : memref<1x640x128xf32, #tpu.memory_space<hbm>> -> memref<640x128xf32, #tpu.memory_space<hbm>>
        %dma_start3A_24 = arith.constant 9360 : i32
        %dma_start3A_25 = arith.constant 0 : i32
        %dma_start3A_26 = tpu.memref_slice %arg7[%dma_start3A_24, %dma_start3A_25] : memref<10016x128xf32, #tpu.memory_space<vmem_shared>> -> memref<640x128xf32, #tpu.memory_space<vmem_shared>>
        tpu.enqueue_dma source(%dma_start3A_26 : memref<640x128xf32, #tpu.memory_space<vmem_shared>>) target(%dma_start3A_23 : memref<640x128xf32, #tpu.memory_space<hbm>>) target_semaphore(%run_scoped3A : memref<!tpu.dma_semaphore, #tpu.memory_space<semaphore_mem>>)
        %dma_wait3A = arith.constant 9360 : i32
        %dma_wait3A_27 = arith.constant 0 : i32
        %dma_wait3A_28 = tpu.memref_slice %arg6[%arg0, %dma_wait3A, %dma_wait3A_27] : memref<2x10000x128xf32, #tpu.memory_space<hbm>> -> memref<1x640x128xf32, #tpu.memory_space<hbm>>
        %dma_wait3A_29 = tpu.memref_squeeze %dma_wait3A_28 : memref<1x640x128xf32, #tpu.memory_space<hbm>> -> memref<640x128xf32, #tpu.memory_space<hbm>>
        %dma_wait3A_30 = arith.constant 9360 : i32
        %dma_wait3A_31 = arith.constant 0 : i32
        %dma_wait3A_32 = tpu.memref_slice %arg7[%dma_wait3A_30, %dma_wait3A_31] : memref<10016x128xf32, #tpu.memory_space<vmem_shared>> -> memref<640x128xf32, #tpu.memory_space<vmem_shared>>
        tpu.wait_dma2 semaphore(%run_scoped3A : memref<!tpu.dma_semaphore, #tpu.memory_space<semaphore_mem>>) src(%dma_wait3A_32 : memref<640x128xf32, #tpu.memory_space<vmem_shared>>) dst(%dma_wait3A_29 : memref<640x128xf32, #tpu.memory_space<hbm>>)
        tpu.yield
      }) : () -> ()
    } else {
    }
    return
  }
}

#map = affine_map<(d0, d1) -> (0, 0)>
#map1 = affine_map<(d0, d1) -> (0, 0, 0, 0)>
#map2 = affine_map<(d0, d1) -> (0, 0, 0)>
module attributes {stable_mosaic.version = 14 : i64} {
  func.func @k(%arg0: i32, %arg1: i32, %arg2: memref<20000x128xf32, #tpu.memory_space<hbm>>, %arg3: memref<2x16x160x128xi32, #tpu.memory_space<hbm>>, %arg4: memref<16x160x128xi32, #tpu.memory_space<hbm>>, %arg5: memref<656x128xf32, #tpu.memory_space<hbm>>, %arg6: memref<2x10000x128xf32, #tpu.memory_space<hbm>>, %arg7: memref<10016x128xf32, #tpu.memory_space<vmem_shared>>, %arg8: memref<16x128xi32, #tpu.memory_space<vmem>>, %arg9: memref<16x128xi32, #tpu.memory_space<vmem>>, %arg10: memref<128x128xf32, #tpu.memory_space<vmem>>) attributes {dimension_semantics = [#tpu.dimension_semantics<core_parallel>, #tpu.dimension_semantics<subcore_parallel>], iteration_bounds = array<i64: 2, 16>, scalar_prefetch = 0 : i64, scratch_operands = 4 : i64, tpu.core_type = #tpu.core_type<sc_vector_subcore>, window_params = [{transform_indices = #map}, {transform_indices = #map1}, {transform_indices = #map2}, {transform_indices = #map}, {transform_indices = #map2}]} {
    %lt3A = arith.constant 15 : i32
    %lt3A_0 = arith.cmpi slt, %arg1, %lt3A : i32
    %convert_element_type3A = arith.extui %lt3A_0 : i1 to i32
    %cond3A = arith.constant 0 : i32
    %cond3A_1 = arith.cmpi ne, %convert_element_type3A, %cond3A : i32
    scf.if %cond3A_1 {
      %mul3A = arith.constant 624 : i32
      %mul3A_21 = arith.muli %arg1, %mul3A : i32
      "tpu.region"() ({
        %run_scoped3A = tpu.sem_alloc : memref<!tpu.dma_semaphore, #tpu.memory_space<semaphore_mem>>
        %dma_start3A = arith.constant 0 : i32
        %dma_start3A_22 = tpu.memref_slice %arg7[%mul3A_21, %dma_start3A] : memref<10016x128xf32, #tpu.memory_space<vmem_shared>> -> memref<624x128xf32, #tpu.memory_space<vmem_shared>>
        %dma_start3A_23 = arith.constant 0 : i32
        %dma_start3A_24 = arith.constant 0 : i32
        %dma_start3A_25 = tpu.memref_slice %arg5[%dma_start3A_23, %dma_start3A_24] : memref<656x128xf32, #tpu.memory_space<hbm>> -> memref<624x128xf32, #tpu.memory_space<hbm>>
        tpu.enqueue_dma source(%dma_start3A_25 : memref<624x128xf32, #tpu.memory_space<hbm>>) target(%dma_start3A_22 : memref<624x128xf32, #tpu.memory_space<vmem_shared>>) target_semaphore(%run_scoped3A : memref<!tpu.dma_semaphore, #tpu.memory_space<semaphore_mem>>)
        %dma_wait3A = arith.constant 0 : i32
        %dma_wait3A_26 = tpu.memref_slice %arg7[%mul3A_21, %dma_wait3A] : memref<10016x128xf32, #tpu.memory_space<vmem_shared>> -> memref<624x128xf32, #tpu.memory_space<vmem_shared>>
        %dma_wait3A_27 = arith.constant 0 : i32
        %dma_wait3A_28 = arith.constant 0 : i32
        %dma_wait3A_29 = tpu.memref_slice %arg5[%dma_wait3A_27, %dma_wait3A_28] : memref<656x128xf32, #tpu.memory_space<hbm>> -> memref<624x128xf32, #tpu.memory_space<hbm>>
        tpu.wait_dma2 semaphore(%run_scoped3A : memref<!tpu.dma_semaphore, #tpu.memory_space<semaphore_mem>>) src(%dma_wait3A_29 : memref<624x128xf32, #tpu.memory_space<hbm>>) dst(%dma_wait3A_26 : memref<624x128xf32, #tpu.memory_space<vmem_shared>>)
        tpu.yield
      }) : () -> ()
    } else {
    }
    %eq3A = arith.constant 15 : i32
    %eq3A_2 = arith.cmpi eq, %arg1, %eq3A : i32
    %convert_element_type3A_3 = arith.extui %eq3A_2 : i1 to i32
    %cond3A_4 = arith.constant 0 : i32
    %cond3A_5 = arith.cmpi ne, %convert_element_type3A_3, %cond3A_4 : i32
    scf.if %cond3A_5 {
      "tpu.region"() ({
        %run_scoped3A = tpu.sem_alloc : memref<!tpu.dma_semaphore, #tpu.memory_space<semaphore_mem>>
        %dma_start3A = arith.constant 9360 : i32
        %dma_start3A_21 = arith.constant 0 : i32
        %dma_start3A_22 = tpu.memref_slice %arg7[%dma_start3A, %dma_start3A_21] : memref<10016x128xf32, #tpu.memory_space<vmem_shared>> -> memref<656x128xf32, #tpu.memory_space<vmem_shared>>
        tpu.enqueue_dma source(%arg5 : memref<656x128xf32, #tpu.memory_space<hbm>>) target(%dma_start3A_22 : memref<656x128xf32, #tpu.memory_space<vmem_shared>>) target_semaphore(%run_scoped3A : memref<!tpu.dma_semaphore, #tpu.memory_space<semaphore_mem>>)
        %dma_wait3A = arith.constant 9360 : i32
        %dma_wait3A_23 = arith.constant 0 : i32
        %dma_wait3A_24 = tpu.memref_slice %arg7[%dma_wait3A, %dma_wait3A_23] : memref<10016x128xf32, #tpu.memory_space<vmem_shared>> -> memref<656x128xf32, #tpu.memory_space<vmem_shared>>
        tpu.wait_dma2 semaphore(%run_scoped3A : memref<!tpu.dma_semaphore, #tpu.memory_space<semaphore_mem>>) src(%arg5 : memref<656x128xf32, #tpu.memory_space<hbm>>) dst(%dma_wait3A_24 : memref<656x128xf32, #tpu.memory_space<vmem_shared>>)
        tpu.yield
      }) : () -> ()
    } else {
    }
    %barrier3A = arith.constant 0 : index
    tpu.barrier barrier_id(%barrier3A)
    %scan3A = arith.constant 0 : i32
    %scan3A_6 = arith.constant 10 : i32
    %scan3A_7 = arith.addi %scan3A, %scan3A_6 : i32
    %scan3A_8 = arith.constant 1 : i32
    scf.for %scan3A_21 = %scan3A to %scan3A_7 step %scan3A_8  : i32 {
      %mul3A = arith.constant 1 : i32
      %mul3A_22 = arith.muli %scan3A_21, %mul3A : i32
      %add3A = arith.constant 0 : i32
      %add3A_23 = arith.addi %add3A, %mul3A_22 : i32
      %mul3A_24 = arith.constant 16 : i32
      %mul3A_25 = arith.muli %add3A_23, %mul3A_24 : i32
      "tpu.region"() ({
        %run_scoped3A = tpu.sem_alloc : memref<!tpu.dma_semaphore, #tpu.memory_space<semaphore_mem>>
        %dma_start3A = arith.constant 0 : i32
        %dma_start3A_33 = tpu.memref_slice %arg3[%arg0, %arg1, %mul3A_25, %dma_start3A] : memref<2x16x160x128xi32, #tpu.memory_space<hbm>> -> memref<1x1x16x128xi32, #tpu.memory_space<hbm>>
        %dma_start3A_34 = tpu.memref_squeeze %dma_start3A_33 : memref<1x1x16x128xi32, #tpu.memory_space<hbm>> -> memref<16x128xi32, #tpu.memory_space<hbm>>
        %dma_start3A_35 = arith.constant 0 : i32
        %dma_start3A_36 = tpu.memref_slice %arg3[%arg0, %arg1, %mul3A_25, %dma_start3A_35] : memref<2x16x160x128xi32, #tpu.memory_space<hbm>> -> memref<1x1x16x128xi32, #tpu.memory_space<hbm>>
        %dma_start3A_37 = tpu.memref_squeeze %dma_start3A_36 : memref<1x1x16x128xi32, #tpu.memory_space<hbm>> -> memref<16x128xi32, #tpu.memory_space<hbm>>
        tpu.enqueue_dma source(%dma_start3A_37 : memref<16x128xi32, #tpu.memory_space<hbm>>) target(%arg8 : memref<16x128xi32, #tpu.memory_space<vmem>>) target_semaphore(%run_scoped3A : memref<!tpu.dma_semaphore, #tpu.memory_space<semaphore_mem>>)
        %dma_wait3A = arith.constant 0 : i32
        %dma_wait3A_38 = tpu.memref_slice %arg3[%arg0, %arg1, %mul3A_25, %dma_wait3A] : memref<2x16x160x128xi32, #tpu.memory_space<hbm>> -> memref<1x1x16x128xi32, #tpu.memory_space<hbm>>
        %dma_wait3A_39 = tpu.memref_squeeze %dma_wait3A_38 : memref<1x1x16x128xi32, #tpu.memory_space<hbm>> -> memref<16x128xi32, #tpu.memory_space<hbm>>
        %dma_wait3A_40 = arith.constant 0 : i32
        %dma_wait3A_41 = tpu.memref_slice %arg3[%arg0, %arg1, %mul3A_25, %dma_wait3A_40] : memref<2x16x160x128xi32, #tpu.memory_space<hbm>> -> memref<1x1x16x128xi32, #tpu.memory_space<hbm>>
        %dma_wait3A_42 = tpu.memref_squeeze %dma_wait3A_41 : memref<1x1x16x128xi32, #tpu.memory_space<hbm>> -> memref<16x128xi32, #tpu.memory_space<hbm>>
        tpu.wait_dma2 semaphore(%run_scoped3A : memref<!tpu.dma_semaphore, #tpu.memory_space<semaphore_mem>>) src(%dma_wait3A_42 : memref<16x128xi32, #tpu.memory_space<hbm>>) dst(%arg8 : memref<16x128xi32, #tpu.memory_space<vmem>>)
        tpu.yield
      }) : () -> ()
      %mul3A_26 = arith.constant 16 : i32
      %mul3A_27 = arith.muli %add3A_23, %mul3A_26 : i32
      "tpu.region"() ({
        %run_scoped3A = tpu.sem_alloc : memref<!tpu.dma_semaphore, #tpu.memory_space<semaphore_mem>>
        %dma_start3A = arith.constant 0 : i32
        %dma_start3A_33 = tpu.memref_slice %arg4[%arg1, %mul3A_27, %dma_start3A] : memref<16x160x128xi32, #tpu.memory_space<hbm>> -> memref<1x16x128xi32, #tpu.memory_space<hbm>>
        %dma_start3A_34 = tpu.memref_squeeze %dma_start3A_33 : memref<1x16x128xi32, #tpu.memory_space<hbm>> -> memref<16x128xi32, #tpu.memory_space<hbm>>
        %dma_start3A_35 = arith.constant 0 : i32
        %dma_start3A_36 = tpu.memref_slice %arg4[%arg1, %mul3A_27, %dma_start3A_35] : memref<16x160x128xi32, #tpu.memory_space<hbm>> -> memref<1x16x128xi32, #tpu.memory_space<hbm>>
        %dma_start3A_37 = tpu.memref_squeeze %dma_start3A_36 : memref<1x16x128xi32, #tpu.memory_space<hbm>> -> memref<16x128xi32, #tpu.memory_space<hbm>>
        tpu.enqueue_dma source(%dma_start3A_37 : memref<16x128xi32, #tpu.memory_space<hbm>>) target(%arg9 : memref<16x128xi32, #tpu.memory_space<vmem>>) target_semaphore(%run_scoped3A : memref<!tpu.dma_semaphore, #tpu.memory_space<semaphore_mem>>)
        %dma_wait3A = arith.constant 0 : i32
        %dma_wait3A_38 = tpu.memref_slice %arg4[%arg1, %mul3A_27, %dma_wait3A] : memref<16x160x128xi32, #tpu.memory_space<hbm>> -> memref<1x16x128xi32, #tpu.memory_space<hbm>>
        %dma_wait3A_39 = tpu.memref_squeeze %dma_wait3A_38 : memref<1x16x128xi32, #tpu.memory_space<hbm>> -> memref<16x128xi32, #tpu.memory_space<hbm>>
        %dma_wait3A_40 = arith.constant 0 : i32
        %dma_wait3A_41 = tpu.memref_slice %arg4[%arg1, %mul3A_27, %dma_wait3A_40] : memref<16x160x128xi32, #tpu.memory_space<hbm>> -> memref<1x16x128xi32, #tpu.memory_space<hbm>>
        %dma_wait3A_42 = tpu.memref_squeeze %dma_wait3A_41 : memref<1x16x128xi32, #tpu.memory_space<hbm>> -> memref<16x128xi32, #tpu.memory_space<hbm>>
        tpu.wait_dma2 semaphore(%run_scoped3A : memref<!tpu.dma_semaphore, #tpu.memory_space<semaphore_mem>>) src(%dma_wait3A_42 : memref<16x128xi32, #tpu.memory_space<hbm>>) dst(%arg9 : memref<16x128xi32, #tpu.memory_space<vmem>>)
        tpu.yield
      }) : () -> ()
      %scan3A_28 = arith.constant 0 : i32
      %scan3A_29 = arith.constant 16 : i32
      %scan3A_30 = arith.addi %scan3A_28, %scan3A_29 : i32
      %scan3A_31 = arith.constant 1 : i32
      scf.for %scan3A_33 = %scan3A_28 to %scan3A_30 step %scan3A_31  : i32 {
        %mul3A_34 = arith.constant 1 : i32
        %mul3A_35 = arith.muli %scan3A_33, %mul3A_34 : i32
        %add3A_36 = arith.constant 0 : i32
        %add3A_37 = arith.addi %add3A_36, %mul3A_35 : i32
        "tpu.region"() ({
          %run_scoped3A = tpu.sem_alloc : memref<!tpu.dma_semaphore, #tpu.memory_space<semaphore_mem>>
          %dma_start3A = arith.constant 0 : i32
          %dma_start3A_38 = tpu.memref_slice %arg8[%add3A_37, %dma_start3A] : memref<16x128xi32, #tpu.memory_space<vmem>> -> memref<1x128xi32, #tpu.memory_space<vmem>>
          %dma_start3A_39 = tpu.memref_squeeze %dma_start3A_38 : memref<1x128xi32, #tpu.memory_space<vmem>> -> memref<128xi32, #tpu.memory_space<vmem>>
          %dma_start3A_40 = arith.constant 0 : i32
          %dma_start3A_41 = arith.constant 0 : i32
          %dma_start3A_42 = tpu.memref_slice %arg2[%dma_start3A_40, %dma_start3A_41] : memref<20000x128xf32, #tpu.memory_space<hbm>> -> memref<20000x128xf32, #tpu.memory_space<hbm>>
          tpu.enqueue_indirect_dma source(%dma_start3A_42 : memref<20000x128xf32, #tpu.memory_space<hbm>>) target(%arg10 : memref<128x128xf32, #tpu.memory_space<vmem>>) offsets(%dma_start3A_39 : memref<128xi32, #tpu.memory_space<vmem>>) semaphore(%run_scoped3A : memref<!tpu.dma_semaphore, #tpu.memory_space<semaphore_mem>>)
          %dma_wait3A = arith.constant 0 : i32
          %dma_wait3A_43 = tpu.memref_slice %arg8[%add3A_37, %dma_wait3A] : memref<16x128xi32, #tpu.memory_space<vmem>> -> memref<1x128xi32, #tpu.memory_space<vmem>>
          %dma_wait3A_44 = tpu.memref_squeeze %dma_wait3A_43 : memref<1x128xi32, #tpu.memory_space<vmem>> -> memref<128xi32, #tpu.memory_space<vmem>>
          %dma_wait3A_45 = arith.constant 0 : i32
          %dma_wait3A_46 = arith.constant 0 : i32
          %dma_wait3A_47 = tpu.memref_slice %arg2[%dma_wait3A_45, %dma_wait3A_46] : memref<20000x128xf32, #tpu.memory_space<hbm>> -> memref<20000x128xf32, #tpu.memory_space<hbm>>
          tpu.wait_indirect_dma semaphore(%run_scoped3A : memref<!tpu.dma_semaphore, #tpu.memory_space<semaphore_mem>>) src(%dma_wait3A_47 : memref<20000x128xf32, #tpu.memory_space<hbm>>) dst(%arg10 : memref<128x128xf32, #tpu.memory_space<vmem>>)
          tpu.yield
        }) : () -> ()
        "tpu.region"() ({
          %run_scoped3A = tpu.sem_alloc : memref<!tpu.dma_semaphore, #tpu.memory_space<semaphore_mem>>
          %dma_start3A = arith.constant 0 : i32
          %dma_start3A_38 = tpu.memref_slice %arg9[%add3A_37, %dma_start3A] : memref<16x128xi32, #tpu.memory_space<vmem>> -> memref<1x128xi32, #tpu.memory_space<vmem>>
          %dma_start3A_39 = tpu.memref_squeeze %dma_start3A_38 : memref<1x128xi32, #tpu.memory_space<vmem>> -> memref<128xi32, #tpu.memory_space<vmem>>
          %dma_start3A_40 = arith.constant 0 : i32
          %dma_start3A_41 = arith.constant 0 : i32
          %dma_start3A_42 = tpu.memref_slice %arg7[%dma_start3A_40, %dma_start3A_41] : memref<10016x128xf32, #tpu.memory_space<vmem_shared>> -> memref<10016x128xf32, #tpu.memory_space<vmem_shared>>
          tpu.enqueue_indirect_dma source(%arg10 : memref<128x128xf32, #tpu.memory_space<vmem>>) target(%dma_start3A_42 : memref<10016x128xf32, #tpu.memory_space<vmem_shared>>) offsets(%dma_start3A_39 : memref<128xi32, #tpu.memory_space<vmem>>) semaphore(%run_scoped3A : memref<!tpu.dma_semaphore, #tpu.memory_space<semaphore_mem>>) {add = true}
          %dma_wait3A = arith.constant 0 : i32
          %dma_wait3A_43 = tpu.memref_slice %arg9[%add3A_37, %dma_wait3A] : memref<16x128xi32, #tpu.memory_space<vmem>> -> memref<1x128xi32, #tpu.memory_space<vmem>>
          %dma_wait3A_44 = tpu.memref_squeeze %dma_wait3A_43 : memref<1x128xi32, #tpu.memory_space<vmem>> -> memref<128xi32, #tpu.memory_space<vmem>>
          %dma_wait3A_45 = arith.constant 0 : i32
          %dma_wait3A_46 = arith.constant 0 : i32
          %dma_wait3A_47 = tpu.memref_slice %arg7[%dma_wait3A_45, %dma_wait3A_46] : memref<10016x128xf32, #tpu.memory_space<vmem_shared>> -> memref<10016x128xf32, #tpu.memory_space<vmem_shared>>
          tpu.wait_indirect_dma semaphore(%run_scoped3A : memref<!tpu.dma_semaphore, #tpu.memory_space<semaphore_mem>>) src(%arg10 : memref<128x128xf32, #tpu.memory_space<vmem>>) dst(%dma_wait3A_47 : memref<10016x128xf32, #tpu.memory_space<vmem_shared>>)
          tpu.yield
        }) : () -> ()
      }
      %scan3A_32 = arith.constant 16 : i32
    }
    %scan3A_9 = arith.constant 10 : i32
    %barrier3A_10 = arith.constant 0 : index
    tpu.barrier barrier_id(%barrier3A_10)
    %lt3A_11 = arith.constant 15 : i32
    %lt3A_12 = arith.cmpi slt, %arg1, %lt3A_11 : i32
    %convert_element_type3A_13 = arith.extui %lt3A_12 : i1 to i32
    %cond3A_14 = arith.constant 0 : i32
    %cond3A_15 = arith.cmpi ne, %convert_element_type3A_13, %cond3A_14 : i32
    scf.if %cond3A_15 {
      %mul3A = arith.constant 624 : i32
      %mul3A_21 = arith.muli %arg1, %mul3A : i32
      %mul3A_22 = arith.constant 624 : i32
      %mul3A_23 = arith.muli %arg1, %mul3A_22 : i32
      "tpu.region"() ({
        %run_scoped3A = tpu.sem_alloc : memref<!tpu.dma_semaphore, #tpu.memory_space<semaphore_mem>>
        %dma_start3A = arith.constant 0 : i32
        %dma_start3A_24 = tpu.memref_slice %arg6[%arg0, %mul3A_23, %dma_start3A] : memref<2x10000x128xf32, #tpu.memory_space<hbm>> -> memref<1x624x128xf32, #tpu.memory_space<hbm>>
        %dma_start3A_25 = tpu.memref_squeeze %dma_start3A_24 : memref<1x624x128xf32, #tpu.memory_space<hbm>> -> memref<624x128xf32, #tpu.memory_space<hbm>>
        %dma_start3A_26 = arith.constant 0 : i32
        %dma_start3A_27 = tpu.memref_slice %arg7[%mul3A_21, %dma_start3A_26] : memref<10016x128xf32, #tpu.memory_space<vmem_shared>> -> memref<624x128xf32, #tpu.memory_space<vmem_shared>>
        tpu.enqueue_dma source(%dma_start3A_27 : memref<624x128xf32, #tpu.memory_space<vmem_shared>>) target(%dma_start3A_25 : memref<624x128xf32, #tpu.memory_space<hbm>>) target_semaphore(%run_scoped3A : memref<!tpu.dma_semaphore, #tpu.memory_space<semaphore_mem>>)
        %dma_wait3A = arith.constant 0 : i32
        %dma_wait3A_28 = tpu.memref_slice %arg6[%arg0, %mul3A_23, %dma_wait3A] : memref<2x10000x128xf32, #tpu.memory_space<hbm>> -> memref<1x624x128xf32, #tpu.memory_space<hbm>>
        %dma_wait3A_29 = tpu.memref_squeeze %dma_wait3A_28 : memref<1x624x128xf32, #tpu.memory_space<hbm>> -> memref<624x128xf32, #tpu.memory_space<hbm>>
        %dma_wait3A_30 = arith.constant 0 : i32
        %dma_wait3A_31 = tpu.memref_slice %arg7[%mul3A_21, %dma_wait3A_30] : memref<10016x128xf32, #tpu.memory_space<vmem_shared>> -> memref<624x128xf32, #tpu.memory_space<vmem_shared>>
        tpu.wait_dma2 semaphore(%run_scoped3A : memref<!tpu.dma_semaphore, #tpu.memory_space<semaphore_mem>>) src(%dma_wait3A_31 : memref<624x128xf32, #tpu.memory_space<vmem_shared>>) dst(%dma_wait3A_29 : memref<624x128xf32, #tpu.memory_space<hbm>>)
        tpu.yield
      }) : () -> ()
    } else {
    }
    %eq3A_16 = arith.constant 15 : i32
    %eq3A_17 = arith.cmpi eq, %arg1, %eq3A_16 : i32
    %convert_element_type3A_18 = arith.extui %eq3A_17 : i1 to i32
    %cond3A_19 = arith.constant 0 : i32
    %cond3A_20 = arith.cmpi ne, %convert_element_type3A_18, %cond3A_19 : i32
    scf.if %cond3A_20 {
      "tpu.region"() ({
        %run_scoped3A = tpu.sem_alloc : memref<!tpu.dma_semaphore, #tpu.memory_space<semaphore_mem>>
        %dma_start3A = arith.constant 9360 : i32
        %dma_start3A_21 = arith.constant 0 : i32
        %dma_start3A_22 = tpu.memref_slice %arg6[%arg0, %dma_start3A, %dma_start3A_21] : memref<2x10000x128xf32, #tpu.memory_space<hbm>> -> memref<1x640x128xf32, #tpu.memory_space<hbm>>
        %dma_start3A_23 = tpu.memref_squeeze %dma_start3A_22 : memref<1x640x128xf32, #tpu.memory_space<hbm>> -> memref<640x128xf32, #tpu.memory_space<hbm>>
        %dma_start3A_24 = arith.constant 9360 : i32
        %dma_start3A_25 = arith.constant 0 : i32
        %dma_start3A_26 = tpu.memref_slice %arg7[%dma_start3A_24, %dma_start3A_25] : memref<10016x128xf32, #tpu.memory_space<vmem_shared>> -> memref<640x128xf32, #tpu.memory_space<vmem_shared>>
        tpu.enqueue_dma source(%dma_start3A_26 : memref<640x128xf32, #tpu.memory_space<vmem_shared>>) target(%dma_start3A_23 : memref<640x128xf32, #tpu.memory_space<hbm>>) target_semaphore(%run_scoped3A : memref<!tpu.dma_semaphore, #tpu.memory_space<semaphore_mem>>)
        %dma_wait3A = arith.constant 9360 : i32
        %dma_wait3A_27 = arith.constant 0 : i32
        %dma_wait3A_28 = tpu.memref_slice %arg6[%arg0, %dma_wait3A, %dma_wait3A_27] : memref<2x10000x128xf32, #tpu.memory_space<hbm>> -> memref<1x640x128xf32, #tpu.memory_space<hbm>>
        %dma_wait3A_29 = tpu.memref_squeeze %dma_wait3A_28 : memref<1x640x128xf32, #tpu.memory_space<hbm>> -> memref<640x128xf32, #tpu.memory_space<hbm>>
        %dma_wait3A_30 = arith.constant 9360 : i32
        %dma_wait3A_31 = arith.constant 0 : i32
        %dma_wait3A_32 = tpu.memref_slice %arg7[%dma_wait3A_30, %dma_wait3A_31] : memref<10016x128xf32, #tpu.memory_space<vmem_shared>> -> memref<640x128xf32, #tpu.memory_space<vmem_shared>>
        tpu.wait_dma2 semaphore(%run_scoped3A : memref<!tpu.dma_semaphore, #tpu.memory_space<semaphore_mem>>) src(%dma_wait3A_32 : memref<640x128xf32, #tpu.memory_space<vmem_shared>>) dst(%dma_wait3A_29 : memref<640x128xf32, #tpu.memory_space<hbm>>)
        tpu.yield
      }) : () -> ()
    } else {
    }
    return
  }
}

module attributes {stable_mosaic.version = 14 : i64} {
  func.func @_pre_body(%arg0: i32, %arg1: memref<2000x128xf32, #tpu.memory_space<vmem>>, %arg2: memref<128x128xf32, #tpu.memory_space<vmem>>, %arg3: memref<1x128xf32, #tpu.memory_space<vmem>>, %arg4: memref<128x128xf32, #tpu.memory_space<vmem>>, %arg5: memref<1x128xf32, #tpu.memory_space<vmem>>, %arg6: memref<128x128xf32, #tpu.memory_space<vmem>>, %arg7: memref<1x128xf32, #tpu.memory_space<vmem>>, %arg8: memref<2000x128xf32, #tpu.memory_space<vmem>>, %arg9: memref<8x128xf32, #tpu.memory_space<vmem>>) attributes {dimension_semantics = [#tpu.dimension_semantics<arbitrary>], iteration_bounds = array<i64: 5>, scalar_prefetch = 0 : i64, scratch_operands = 0 : i64, tpu.core_type = #tpu.core_type<tc>, window_params = [{transform_indices = @transform_0, window_bounds = array<i64: 2000, 128>}, {pipeline_mode = #tpu.pipeline_mode<synchronous>, transform_indices = @transform_1, window_bounds = array<i64: 128, 128>}, {pipeline_mode = #tpu.pipeline_mode<synchronous>, transform_indices = @transform_2, window_bounds = array<i64: 1, 128>}, {pipeline_mode = #tpu.pipeline_mode<synchronous>, transform_indices = @transform_3, window_bounds = array<i64: 128, 128>}, {pipeline_mode = #tpu.pipeline_mode<synchronous>, transform_indices = @transform_4, window_bounds = array<i64: 1, 128>}, {pipeline_mode = #tpu.pipeline_mode<synchronous>, transform_indices = @transform_5, window_bounds = array<i64: 128, 128>}, {pipeline_mode = #tpu.pipeline_mode<synchronous>, transform_indices = @transform_6, window_bounds = array<i64: 1, 128>}, {transform_indices = @transform_7, window_bounds = array<i64: 2000, 128>}, {pipeline_mode = #tpu.pipeline_mode<synchronous>, transform_indices = @transform_8, window_bounds = array<i64: 8, 128>}]} {
    %get3A = arith.constant 0 : index
    %get3A_0 = arith.constant 0 : index
    %get3A_1 = vector.load %arg1[%get3A, %get3A_0] : memref<2000x128xf32, #tpu.memory_space<vmem>>, vector<2000x128xf32>
    %get3A_2 = arith.constant 0 : index
    %get3A_3 = arith.constant 0 : index
    %get3A_4 = vector.load %arg2[%get3A_2, %get3A_3] : memref<128x128xf32, #tpu.memory_space<vmem>>, vector<128x128xf32>
    %dot_general3A = arith.constant dense<0.000000e+00> : vector<2000x128xf32>
    %dot_general3A_5 = tpu.matmul %get3A_1, %get3A_4, %dot_general3A {dimension_numbers = #tpu.dot_dimension_numbers<[1], [1], [0], [0], [0, 0, 1, 0], [], []>, transpose_lhs_hint = false} : vector<2000x128xf32>, vector<128x128xf32>, vector<2000x128xf32> -> vector<2000x128xf32>
    %get3A_6 = arith.constant 0 : index
    %get3A_7 = arith.constant 0 : index
    %get3A_8 = vector.load %arg3[%get3A_6, %get3A_7] : memref<1x128xf32, #tpu.memory_space<vmem>>, vector<1x128xf32>
    %add3A = vector.broadcast %get3A_8 : vector<1x128xf32> to vector<2000x128xf32>
    %add3A_9 = arith.addf %dot_general3A_5, %add3A : vector<2000x128xf32>
    %max3A = arith.constant 0.000000e+00 : f32
    %max3A_10 = vector.broadcast %max3A : f32 to vector<2000x128xf32>
    %max3A_11 = arith.maximumf %add3A_9, %max3A_10 : vector<2000x128xf32>
    %get3A_12 = arith.constant 0 : index
    %get3A_13 = arith.constant 0 : index
    %get3A_14 = vector.load %arg4[%get3A_12, %get3A_13] : memref<128x128xf32, #tpu.memory_space<vmem>>, vector<128x128xf32>
    %dot_general3A_15 = arith.constant dense<0.000000e+00> : vector<2000x128xf32>
    %dot_general3A_16 = tpu.matmul %max3A_11, %get3A_14, %dot_general3A_15 {dimension_numbers = #tpu.dot_dimension_numbers<[1], [1], [0], [0], [0, 0, 1, 0], [], []>, transpose_lhs_hint = false} : vector<2000x128xf32>, vector<128x128xf32>, vector<2000x128xf32> -> vector<2000x128xf32>
    %get3A_17 = arith.constant 0 : index
    %get3A_18 = arith.constant 0 : index
    %get3A_19 = vector.load %arg5[%get3A_17, %get3A_18] : memref<1x128xf32, #tpu.memory_space<vmem>>, vector<1x128xf32>
    %add3A_20 = vector.broadcast %get3A_19 : vector<1x128xf32> to vector<2000x128xf32>
    %add3A_21 = arith.addf %dot_general3A_16, %add3A_20 : vector<2000x128xf32>
    %max3A_22 = arith.constant 0.000000e+00 : f32
    %max3A_23 = vector.broadcast %max3A_22 : f32 to vector<2000x128xf32>
    %max3A_24 = arith.maximumf %add3A_21, %max3A_23 : vector<2000x128xf32>
    %get3A_25 = arith.constant 0 : index
    %get3A_26 = arith.constant 0 : index
    %get3A_27 = vector.load %arg6[%get3A_25, %get3A_26] : memref<128x128xf32, #tpu.memory_space<vmem>>, vector<128x128xf32>
    %dot_general3A_28 = arith.constant dense<0.000000e+00> : vector<2000x128xf32>
    %dot_general3A_29 = tpu.matmul %max3A_24, %get3A_27, %dot_general3A_28 {dimension_numbers = #tpu.dot_dimension_numbers<[1], [1], [0], [0], [0, 0, 1, 0], [], []>, transpose_lhs_hint = false} : vector<2000x128xf32>, vector<128x128xf32>, vector<2000x128xf32> -> vector<2000x128xf32>
    %get3A_30 = arith.constant 0 : index
    %get3A_31 = arith.constant 0 : index
    %get3A_32 = vector.load %arg7[%get3A_30, %get3A_31] : memref<1x128xf32, #tpu.memory_space<vmem>>, vector<1x128xf32>
    %add3A_33 = vector.broadcast %get3A_32 : vector<1x128xf32> to vector<2000x128xf32>
    %add3A_34 = arith.addf %dot_general3A_29, %add3A_33 : vector<2000x128xf32>
    %max3A_35 = arith.constant 0.000000e+00 : f32
    %max3A_36 = vector.broadcast %max3A_35 : f32 to vector<2000x128xf32>
    %max3A_37 = arith.maximumf %add3A_34, %max3A_36 : vector<2000x128xf32>
    %swap3A = arith.constant 0 : index
    %swap3A_38 = arith.constant 0 : index
    %swap3A_39 = vector.load %arg8[%swap3A, %swap3A_38] : memref<2000x128xf32, #tpu.memory_space<vmem>>, vector<2000x128xf32>
    tpu.vector_store %arg8[%swap3A, %swap3A_38], %max3A_37 {strides = array<i32>} : memref<2000x128xf32, #tpu.memory_space<vmem>>, vector<2000x128xf32>,
    %reduce_max3A = arith.constant dense<0xFF800000> : vector<128xf32>
    %reduce_max3A_40 = vector.multi_reduction <maximumf>, %max3A_37, %reduce_max3A [0] : vector<2000x128xf32> to vector<128xf32>
    %broadcast_in_dim3A = vector.shape_cast %reduce_max3A_40 : vector<128xf32> to vector<1x128xf32>
    %broadcast_in_dim3A_41 = vector.shape_cast %broadcast_in_dim3A : vector<1x128xf32> to vector<1x128xf32>
    %broadcast_in_dim3A_42 = vector.broadcast %broadcast_in_dim3A_41 : vector<1x128xf32> to vector<8x128xf32>
    %eq3A = arith.constant 0 : i32
    %eq3A_43 = arith.cmpi eq, %arg0, %eq3A : i32
    %convert_element_type3A = arith.extui %eq3A_43 : i1 to i32
    %cond3A = arith.constant 0 : i32
    %cond3A_44 = arith.cmpi ne, %convert_element_type3A, %cond3A : i32
    scf.if %cond3A_44 {
      %swap3A_49 = arith.constant 0 : index
      %swap3A_50 = arith.constant 0 : index
      %swap3A_51 = vector.load %arg9[%swap3A_49, %swap3A_50] : memref<8x128xf32, #tpu.memory_space<vmem>>, vector<8x128xf32>
      tpu.vector_store %arg9[%swap3A_49, %swap3A_50], %broadcast_in_dim3A_42 {strides = array<i32>} : memref<8x128xf32, #tpu.memory_space<vmem>>, vector<8x128xf32>,
    } else {
    }
    %gt3A = arith.constant 0 : i32
    %gt3A_45 = arith.cmpi sgt, %arg0, %gt3A : i32
    %convert_element_type3A_46 = arith.extui %gt3A_45 : i1 to i32
    %cond3A_47 = arith.constant 0 : i32
    %cond3A_48 = arith.cmpi ne, %convert_element_type3A_46, %cond3A_47 : i32
    scf.if %cond3A_48 {
      %get3A_49 = arith.constant 0 : index
      %get3A_50 = arith.constant 0 : index
      %get3A_51 = vector.load %arg9[%get3A_49, %get3A_50] : memref<8x128xf32, #tpu.memory_space<vmem>>, vector<8x128xf32>
      %max3A_52 = arith.maximumf %get3A_51, %broadcast_in_dim3A_42 : vector<8x128xf32>
      %swap3A_53 = arith.constant 0 : index
      %swap3A_54 = arith.constant 0 : index
      %swap3A_55 = vector.load %arg9[%swap3A_53, %swap3A_54] : memref<8x128xf32, #tpu.memory_space<vmem>>, vector<8x128xf32>
      tpu.vector_store %arg9[%swap3A_53, %swap3A_54], %max3A_52 {strides = array<i32>} : memref<8x128xf32, #tpu.memory_space<vmem>>, vector<8x128xf32>,
    } else {
    }
    return
  }
  func.func @transform_0(%arg0: i32) -> (i32, i32) {
    %c0_i32 = arith.constant 0 : i32
    %c0_i32_0 = arith.constant 0 : i32
    return %arg0, %c0_i32 : i32, i32
  }
  func.func @transform_1(%arg0: i32) -> (i32, i32) {
    %c0_i32 = arith.constant 0 : i32
    %c0_i32_0 = arith.constant 0 : i32
    %c0_i32_1 = arith.constant 0 : i32
    return %c0_i32, %c0_i32_0 : i32, i32
  }
  func.func @transform_2(%arg0: i32) -> (i32, i32) {
    %c0_i32 = arith.constant 0 : i32
    %c0_i32_0 = arith.constant 0 : i32
    %c0_i32_1 = arith.constant 0 : i32
    return %c0_i32, %c0_i32_0 : i32, i32
  }
  func.func @transform_3(%arg0: i32) -> (i32, i32) {
    %c0_i32 = arith.constant 0 : i32
    %c0_i32_0 = arith.constant 0 : i32
    %c0_i32_1 = arith.constant 0 : i32
    return %c0_i32, %c0_i32_0 : i32, i32
  }
  func.func @transform_4(%arg0: i32) -> (i32, i32) {
    %c0_i32 = arith.constant 0 : i32
    %c0_i32_0 = arith.constant 0 : i32
    %c0_i32_1 = arith.constant 0 : i32
    return %c0_i32, %c0_i32_0 : i32, i32
  }
  func.func @transform_5(%arg0: i32) -> (i32, i32) {
    %c0_i32 = arith.constant 0 : i32
    %c0_i32_0 = arith.constant 0 : i32
    %c0_i32_1 = arith.constant 0 : i32
    return %c0_i32, %c0_i32_0 : i32, i32
  }
  func.func @transform_6(%arg0: i32) -> (i32, i32) {
    %c0_i32 = arith.constant 0 : i32
    %c0_i32_0 = arith.constant 0 : i32
    %c0_i32_1 = arith.constant 0 : i32
    return %c0_i32, %c0_i32_0 : i32, i32
  }
  func.func @transform_7(%arg0: i32) -> (i32, i32) {
    %c0_i32 = arith.constant 0 : i32
    %c0_i32_0 = arith.constant 0 : i32
    return %arg0, %c0_i32 : i32, i32
  }
  func.func @transform_8(%arg0: i32) -> (i32, i32) {
    %c0_i32 = arith.constant 0 : i32
    %c0_i32_0 = arith.constant 0 : i32
    %c0_i32_1 = arith.constant 0 : i32
    return %c0_i32, %c0_i32_0 : i32, i32
  }
}

module attributes {stable_mosaic.version = 14 : i64} {
  func.func @_pq_body(%arg0: i32, %arg1: i32, %arg2: memref<2000x128xf32, #tpu.memory_space<vmem>>, %arg3: memref<8x128xf32, #tpu.memory_space<vmem>>, %arg4: memref<2000x128xf32, #tpu.memory_space<vmem>>) attributes {dimension_semantics = [#tpu.dimension_semantics<arbitrary>, #tpu.dimension_semantics<arbitrary>], iteration_bounds = array<i64: 2, 5>, scalar_prefetch = 0 : i64, scratch_operands = 0 : i64, tpu.core_type = #tpu.core_type<tc>, window_params = [{transform_indices = @transform_0, window_bounds = array<i64: 2000, 128>}, {pipeline_mode = #tpu.pipeline_mode<synchronous>, transform_indices = @transform_1, window_bounds = array<i64: 8, 128>}, {transform_indices = @transform_2, window_bounds = array<i64: 2000, 128>}]} {
    %get3A = arith.constant 0 : index
    %get3A_0 = arith.constant 0 : index
    %get3A_1 = vector.load %arg2[%get3A, %get3A_0] : memref<2000x128xf32, #tpu.memory_space<vmem>>, vector<2000x128xf32>
    %get3A_2 = arith.constant 0 : index
    %get3A_3 = arith.constant 0 : index
    %get3A_4 = vector.load %arg3[%get3A_2, %get3A_3] : memref<8x128xf32, #tpu.memory_space<vmem>>, vector<1x128xf32>
    %sub3A = vector.broadcast %get3A_4 : vector<1x128xf32> to vector<2000x128xf32>
    %sub3A_5 = arith.subf %get3A_1, %sub3A : vector<2000x128xf32>
    %exp3A = math.exp %sub3A_5 : vector<2000x128xf32>
    %eq3A = arith.constant 0 : i32
    %eq3A_6 = arith.cmpi eq, %arg0, %eq3A : i32
    %mul3A = arith.mulf %exp3A, %get3A_1 : vector<2000x128xf32>
    %select_n3A = arith.select %eq3A_6, %exp3A, %mul3A : vector<2000x128xf32>
    %swap3A = arith.constant 0 : index
    %swap3A_7 = arith.constant 0 : index
    %swap3A_8 = vector.load %arg4[%swap3A, %swap3A_7] : memref<2000x128xf32, #tpu.memory_space<vmem>>, vector<2000x128xf32>
    tpu.vector_store %arg4[%swap3A, %swap3A_7], %select_n3A {strides = array<i32>} : memref<2000x128xf32, #tpu.memory_space<vmem>>, vector<2000x128xf32>,
    return
  }
  func.func @transform_0(%arg0: i32, %arg1: i32) -> (i32, i32) {
    %c0_i32 = arith.constant 0 : i32
    %c0_i32_0 = arith.constant 0 : i32
    return %arg1, %c0_i32 : i32, i32
  }
  func.func @transform_1(%arg0: i32, %arg1: i32) -> (i32, i32) {
    %c0_i32 = arith.constant 0 : i32
    %c0_i32_0 = arith.constant 0 : i32
    %c0_i32_1 = arith.constant 0 : i32
    return %c0_i32, %c0_i32_0 : i32, i32
  }
  func.func @transform_2(%arg0: i32, %arg1: i32) -> (i32, i32) {
    %mul3A = arith.constant 5 : i32
    %mul3A_0 = arith.muli %arg0, %mul3A : i32
    %add3A = arith.addi %mul3A_0, %arg1 : i32
    %c0_i32 = arith.constant 0 : i32
    %c0_i32_1 = arith.constant 0 : i32
    return %add3A, %c0_i32 : i32, i32
  }
}

module attributes {stable_mosaic.version = 14 : i64} {
  func.func @_combine_body(%arg0: i32, %arg1: memref<1x2000x128xf32, #tpu.memory_space<vmem>>, %arg2: memref<1x2000x128xf32, #tpu.memory_space<vmem>>, %arg3: memref<2000x128xf32, #tpu.memory_space<vmem>>, %arg4: memref<128x128xf32, #tpu.memory_space<vmem>>, %arg5: memref<1x128xf32, #tpu.memory_space<vmem>>, %arg6: memref<128x128xf32, #tpu.memory_space<vmem>>, %arg7: memref<2000x128xf32, #tpu.memory_space<vmem>>, %arg8: memref<8x128xf32, #tpu.memory_space<vmem>>) attributes {dimension_semantics = [#tpu.dimension_semantics<arbitrary>], iteration_bounds = array<i64: 5>, scalar_prefetch = 0 : i64, scratch_operands = 0 : i64, tpu.core_type = #tpu.core_type<tc>, window_params = [{transform_indices = @transform_0, window_bounds = array<i64: 1, 2000, 128>}, {transform_indices = @transform_1, window_bounds = array<i64: 1, 2000, 128>}, {transform_indices = @transform_2, window_bounds = array<i64: 2000, 128>}, {pipeline_mode = #tpu.pipeline_mode<synchronous>, transform_indices = @transform_3, window_bounds = array<i64: 128, 128>}, {pipeline_mode = #tpu.pipeline_mode<synchronous>, transform_indices = @transform_4, window_bounds = array<i64: 1, 128>}, {pipeline_mode = #tpu.pipeline_mode<synchronous>, transform_indices = @transform_5, window_bounds = array<i64: 128, 128>}, {transform_indices = @transform_6, window_bounds = array<i64: 2000, 128>}, {pipeline_mode = #tpu.pipeline_mode<synchronous>, transform_indices = @transform_7, window_bounds = array<i64: 8, 128>}]} {
    %get3A = arith.constant 0 : index
    %get3A_0 = arith.constant 0 : index
    %get3A_1 = arith.constant 0 : index
    %get3A_2 = vector.load %arg2[%get3A, %get3A_0, %get3A_1] : memref<1x2000x128xf32, #tpu.memory_space<vmem>>, vector<1x2000x128xf32>
    %get3A_3 = vector.shape_cast %get3A_2 : vector<1x2000x128xf32> to vector<2000x128xf32>
    %get3A_4 = arith.constant 0 : index
    %get3A_5 = arith.constant 0 : index
    %get3A_6 = arith.constant 0 : index
    %get3A_7 = vector.load %arg1[%get3A_4, %get3A_5, %get3A_6] : memref<1x2000x128xf32, #tpu.memory_space<vmem>>, vector<1x2000x128xf32>
    %get3A_8 = vector.shape_cast %get3A_7 : vector<1x2000x128xf32> to vector<2000x128xf32>
    %add3A = arith.constant 1.000000e-16 : f32
    %add3A_9 = vector.broadcast %add3A : f32 to vector<2000x128xf32>
    %add3A_10 = arith.addf %get3A_8, %add3A_9 : vector<2000x128xf32>
    %div3A = arith.divf %get3A_3, %add3A_10 : vector<2000x128xf32>
    %get3A_11 = arith.constant 0 : index
    %get3A_12 = arith.constant 0 : index
    %get3A_13 = vector.load %arg4[%get3A_11, %get3A_12] : memref<128x128xf32, #tpu.memory_space<vmem>>, vector<128x128xf32>
    %dot_general3A = arith.constant dense<0.000000e+00> : vector<2000x128xf32>
    %dot_general3A_14 = tpu.matmul %div3A, %get3A_13, %dot_general3A {dimension_numbers = #tpu.dot_dimension_numbers<[1], [1], [0], [0], [0, 0, 1, 0], [], []>, transpose_lhs_hint = false} : vector<2000x128xf32>, vector<128x128xf32>, vector<2000x128xf32> -> vector<2000x128xf32>
    %get3A_15 = arith.constant 0 : index
    %get3A_16 = arith.constant 0 : index
    %get3A_17 = vector.load %arg5[%get3A_15, %get3A_16] : memref<1x128xf32, #tpu.memory_space<vmem>>, vector<1x128xf32>
    %add3A_18 = vector.broadcast %get3A_17 : vector<1x128xf32> to vector<2000x128xf32>
    %add3A_19 = arith.addf %dot_general3A_14, %add3A_18 : vector<2000x128xf32>
    %get3A_20 = arith.constant 0 : index
    %get3A_21 = arith.constant 0 : index
    %get3A_22 = vector.load %arg3[%get3A_20, %get3A_21] : memref<2000x128xf32, #tpu.memory_space<vmem>>, vector<2000x128xf32>
    %get3A_23 = arith.constant 0 : index
    %get3A_24 = arith.constant 0 : index
    %get3A_25 = vector.load %arg6[%get3A_23, %get3A_24] : memref<128x128xf32, #tpu.memory_space<vmem>>, vector<128x128xf32>
    %dot_general3A_26 = arith.constant dense<0.000000e+00> : vector<2000x128xf32>
    %dot_general3A_27 = tpu.matmul %get3A_22, %get3A_25, %dot_general3A_26 {dimension_numbers = #tpu.dot_dimension_numbers<[1], [1], [0], [0], [0, 0, 1, 0], [], []>, transpose_lhs_hint = false} : vector<2000x128xf32>, vector<128x128xf32>, vector<2000x128xf32> -> vector<2000x128xf32>
    %add3A_28 = arith.addf %add3A_19, %dot_general3A_27 : vector<2000x128xf32>
    %max3A = arith.constant 0.000000e+00 : f32
    %max3A_29 = vector.broadcast %max3A : f32 to vector<2000x128xf32>
    %max3A_30 = arith.maximumf %add3A_28, %max3A_29 : vector<2000x128xf32>
    %swap3A = arith.constant 0 : index
    %swap3A_31 = arith.constant 0 : index
    %swap3A_32 = vector.load %arg7[%swap3A, %swap3A_31] : memref<2000x128xf32, #tpu.memory_space<vmem>>, vector<2000x128xf32>
    tpu.vector_store %arg7[%swap3A, %swap3A_31], %max3A_30 {strides = array<i32>} : memref<2000x128xf32, #tpu.memory_space<vmem>>, vector<2000x128xf32>,
    %reduce_max3A = arith.constant dense<0xFF800000> : vector<128xf32>
    %reduce_max3A_33 = vector.multi_reduction <maximumf>, %max3A_30, %reduce_max3A [0] : vector<2000x128xf32> to vector<128xf32>
    %broadcast_in_dim3A = vector.shape_cast %reduce_max3A_33 : vector<128xf32> to vector<1x128xf32>
    %broadcast_in_dim3A_34 = vector.shape_cast %broadcast_in_dim3A : vector<1x128xf32> to vector<1x128xf32>
    %broadcast_in_dim3A_35 = vector.broadcast %broadcast_in_dim3A_34 : vector<1x128xf32> to vector<8x128xf32>
    %eq3A = arith.constant 0 : i32
    %eq3A_36 = arith.cmpi eq, %arg0, %eq3A : i32
    %convert_element_type3A = arith.extui %eq3A_36 : i1 to i32
    %cond3A = arith.constant 0 : i32
    %cond3A_37 = arith.cmpi ne, %convert_element_type3A, %cond3A : i32
    scf.if %cond3A_37 {
      %swap3A_42 = arith.constant 0 : index
      %swap3A_43 = arith.constant 0 : index
      %swap3A_44 = vector.load %arg8[%swap3A_42, %swap3A_43] : memref<8x128xf32, #tpu.memory_space<vmem>>, vector<8x128xf32>
      tpu.vector_store %arg8[%swap3A_42, %swap3A_43], %broadcast_in_dim3A_35 {strides = array<i32>} : memref<8x128xf32, #tpu.memory_space<vmem>>, vector<8x128xf32>,
    } else {
    }
    %gt3A = arith.constant 0 : i32
    %gt3A_38 = arith.cmpi sgt, %arg0, %gt3A : i32
    %convert_element_type3A_39 = arith.extui %gt3A_38 : i1 to i32
    %cond3A_40 = arith.constant 0 : i32
    %cond3A_41 = arith.cmpi ne, %convert_element_type3A_39, %cond3A_40 : i32
    scf.if %cond3A_41 {
      %get3A_42 = arith.constant 0 : index
      %get3A_43 = arith.constant 0 : index
      %get3A_44 = vector.load %arg8[%get3A_42, %get3A_43] : memref<8x128xf32, #tpu.memory_space<vmem>>, vector<8x128xf32>
      %max3A_45 = arith.maximumf %get3A_44, %broadcast_in_dim3A_35 : vector<8x128xf32>
      %swap3A_46 = arith.constant 0 : index
      %swap3A_47 = arith.constant 0 : index
      %swap3A_48 = vector.load %arg8[%swap3A_46, %swap3A_47] : memref<8x128xf32, #tpu.memory_space<vmem>>, vector<8x128xf32>
      tpu.vector_store %arg8[%swap3A_46, %swap3A_47], %max3A_45 {strides = array<i32>} : memref<8x128xf32, #tpu.memory_space<vmem>>, vector<8x128xf32>,
    } else {
    }
    return
  }
  func.func @transform_0(%arg0: i32) -> (i32, i32, i32) {
    %c0_i32 = arith.constant 0 : i32
    %c0_i32_0 = arith.constant 0 : i32
    %c0_i32_1 = arith.constant 0 : i32
    return %c0_i32, %arg0, %c0_i32_0 : i32, i32, i32
  }
  func.func @transform_1(%arg0: i32) -> (i32, i32, i32) {
    %c1_i32 = arith.constant 1 : i32
    %c0_i32 = arith.constant 0 : i32
    %c0_i32_0 = arith.constant 0 : i32
    return %c1_i32, %arg0, %c0_i32 : i32, i32, i32
  }
  func.func @transform_2(%arg0: i32) -> (i32, i32) {
    %c0_i32 = arith.constant 0 : i32
    %c0_i32_0 = arith.constant 0 : i32
    return %arg0, %c0_i32 : i32, i32
  }
  func.func @transform_3(%arg0: i32) -> (i32, i32) {
    %c0_i32 = arith.constant 0 : i32
    %c0_i32_0 = arith.constant 0 : i32
    %c0_i32_1 = arith.constant 0 : i32
    return %c0_i32, %c0_i32_0 : i32, i32
  }
  func.func @transform_4(%arg0: i32) -> (i32, i32) {
    %c0_i32 = arith.constant 0 : i32
    %c0_i32_0 = arith.constant 0 : i32
    %c0_i32_1 = arith.constant 0 : i32
    return %c0_i32, %c0_i32_0 : i32, i32
  }
  func.func @transform_5(%arg0: i32) -> (i32, i32) {
    %c0_i32 = arith.constant 0 : i32
    %c0_i32_0 = arith.constant 0 : i32
    %c0_i32_1 = arith.constant 0 : i32
    return %c0_i32, %c0_i32_0 : i32, i32
  }
  func.func @transform_6(%arg0: i32) -> (i32, i32) {
    %c0_i32 = arith.constant 0 : i32
    %c0_i32_0 = arith.constant 0 : i32
    return %arg0, %c0_i32 : i32, i32
  }
  func.func @transform_7(%arg0: i32) -> (i32, i32) {
    %c0_i32 = arith.constant 0 : i32
    %c0_i32_0 = arith.constant 0 : i32
    %c0_i32_1 = arith.constant 0 : i32
    return %c0_i32, %c0_i32_0 : i32, i32
  }
}

module attributes {stable_mosaic.version = 14 : i64} {
  func.func @_final_body(%arg0: i32, %arg1: memref<1x2000x128xf32, #tpu.memory_space<vmem>>, %arg2: memref<1x2000x128xf32, #tpu.memory_space<vmem>>, %arg3: memref<2000x128xf32, #tpu.memory_space<vmem>>, %arg4: memref<128x128xf32, #tpu.memory_space<vmem>>, %arg5: memref<1x128xf32, #tpu.memory_space<vmem>>, %arg6: memref<128x128xf32, #tpu.memory_space<vmem>>, %arg7: memref<128x128xf32, #tpu.memory_space<vmem>>, %arg8: memref<1x128xf32, #tpu.memory_space<vmem>>, %arg9: memref<128x128xf32, #tpu.memory_space<vmem>>, %arg10: memref<1x128xf32, #tpu.memory_space<vmem>>, %arg11: memref<128x128xf32, #tpu.memory_space<vmem>>, %arg12: memref<1x128xf32, #tpu.memory_space<vmem>>, %arg13: memref<2000x128xf32, #tpu.memory_space<vmem>>) attributes {dimension_semantics = [#tpu.dimension_semantics<arbitrary>], iteration_bounds = array<i64: 5>, scalar_prefetch = 0 : i64, scratch_operands = 0 : i64, tpu.core_type = #tpu.core_type<tc>, window_params = [{transform_indices = @transform_0, window_bounds = array<i64: 1, 2000, 128>}, {transform_indices = @transform_1, window_bounds = array<i64: 1, 2000, 128>}, {transform_indices = @transform_2, window_bounds = array<i64: 2000, 128>}, {pipeline_mode = #tpu.pipeline_mode<synchronous>, transform_indices = @transform_3, window_bounds = array<i64: 128, 128>}, {pipeline_mode = #tpu.pipeline_mode<synchronous>, transform_indices = @transform_4, window_bounds = array<i64: 1, 128>}, {pipeline_mode = #tpu.pipeline_mode<synchronous>, transform_indices = @transform_5, window_bounds = array<i64: 128, 128>}, {pipeline_mode = #tpu.pipeline_mode<synchronous>, transform_indices = @transform_6, window_bounds = array<i64: 128, 128>}, {pipeline_mode = #tpu.pipeline_mode<synchronous>, transform_indices = @transform_7, window_bounds = array<i64: 1, 128>}, {pipeline_mode = #tpu.pipeline_mode<synchronous>, transform_indices = @transform_8, window_bounds = array<i64: 128, 128>}, {pipeline_mode = #tpu.pipeline_mode<synchronous>, transform_indices = @transform_9, window_bounds = array<i64: 1, 128>}, {pipeline_mode = #tpu.pipeline_mode<synchronous>, transform_indices = @transform_10, window_bounds = array<i64: 128, 128>}, {pipeline_mode = #tpu.pipeline_mode<synchronous>, transform_indices = @transform_11, window_bounds = array<i64: 1, 128>}, {transform_indices = @transform_12, window_bounds = array<i64: 2000, 128>}]} {
    %get3A = arith.constant 0 : index
    %get3A_0 = arith.constant 0 : index
    %get3A_1 = arith.constant 0 : index
    %get3A_2 = vector.load %arg2[%get3A, %get3A_0, %get3A_1] : memref<1x2000x128xf32, #tpu.memory_space<vmem>>, vector<1x2000x128xf32>
    %get3A_3 = vector.shape_cast %get3A_2 : vector<1x2000x128xf32> to vector<2000x128xf32>
    %get3A_4 = arith.constant 0 : index
    %get3A_5 = arith.constant 0 : index
    %get3A_6 = arith.constant 0 : index
    %get3A_7 = vector.load %arg1[%get3A_4, %get3A_5, %get3A_6] : memref<1x2000x128xf32, #tpu.memory_space<vmem>>, vector<1x2000x128xf32>
    %get3A_8 = vector.shape_cast %get3A_7 : vector<1x2000x128xf32> to vector<2000x128xf32>
    %add3A = arith.constant 1.000000e-16 : f32
    %add3A_9 = vector.broadcast %add3A : f32 to vector<2000x128xf32>
    %add3A_10 = arith.addf %get3A_8, %add3A_9 : vector<2000x128xf32>
    %div3A = arith.divf %get3A_3, %add3A_10 : vector<2000x128xf32>
    %get3A_11 = arith.constant 0 : index
    %get3A_12 = arith.constant 0 : index
    %get3A_13 = vector.load %arg4[%get3A_11, %get3A_12] : memref<128x128xf32, #tpu.memory_space<vmem>>, vector<128x128xf32>
    %dot_general3A = arith.constant dense<0.000000e+00> : vector<2000x128xf32>
    %dot_general3A_14 = tpu.matmul %div3A, %get3A_13, %dot_general3A {dimension_numbers = #tpu.dot_dimension_numbers<[1], [1], [0], [0], [0, 0, 1, 0], [], []>, transpose_lhs_hint = false} : vector<2000x128xf32>, vector<128x128xf32>, vector<2000x128xf32> -> vector<2000x128xf32>
    %get3A_15 = arith.constant 0 : index
    %get3A_16 = arith.constant 0 : index
    %get3A_17 = vector.load %arg5[%get3A_15, %get3A_16] : memref<1x128xf32, #tpu.memory_space<vmem>>, vector<1x128xf32>
    %add3A_18 = vector.broadcast %get3A_17 : vector<1x128xf32> to vector<2000x128xf32>
    %add3A_19 = arith.addf %dot_general3A_14, %add3A_18 : vector<2000x128xf32>
    %get3A_20 = arith.constant 0 : index
    %get3A_21 = arith.constant 0 : index
    %get3A_22 = vector.load %arg3[%get3A_20, %get3A_21] : memref<2000x128xf32, #tpu.memory_space<vmem>>, vector<2000x128xf32>
    %get3A_23 = arith.constant 0 : index
    %get3A_24 = arith.constant 0 : index
    %get3A_25 = vector.load %arg6[%get3A_23, %get3A_24] : memref<128x128xf32, #tpu.memory_space<vmem>>, vector<128x128xf32>
    %dot_general3A_26 = arith.constant dense<0.000000e+00> : vector<2000x128xf32>
    %dot_general3A_27 = tpu.matmul %get3A_22, %get3A_25, %dot_general3A_26 {dimension_numbers = #tpu.dot_dimension_numbers<[1], [1], [0], [0], [0, 0, 1, 0], [], []>, transpose_lhs_hint = false} : vector<2000x128xf32>, vector<128x128xf32>, vector<2000x128xf32> -> vector<2000x128xf32>
    %add3A_28 = arith.addf %add3A_19, %dot_general3A_27 : vector<2000x128xf32>
    %max3A = arith.constant 0.000000e+00 : f32
    %max3A_29 = vector.broadcast %max3A : f32 to vector<2000x128xf32>
    %max3A_30 = arith.maximumf %add3A_28, %max3A_29 : vector<2000x128xf32>
    %get3A_31 = arith.constant 0 : index
    %get3A_32 = arith.constant 0 : index
    %get3A_33 = vector.load %arg7[%get3A_31, %get3A_32] : memref<128x128xf32, #tpu.memory_space<vmem>>, vector<128x128xf32>
    %dot_general3A_34 = arith.constant dense<0.000000e+00> : vector<2000x128xf32>
    %dot_general3A_35 = tpu.matmul %max3A_30, %get3A_33, %dot_general3A_34 {dimension_numbers = #tpu.dot_dimension_numbers<[1], [1], [0], [0], [0, 0, 1, 0], [], []>, transpose_lhs_hint = false} : vector<2000x128xf32>, vector<128x128xf32>, vector<2000x128xf32> -> vector<2000x128xf32>
    %get3A_36 = arith.constant 0 : index
    %get3A_37 = arith.constant 0 : index
    %get3A_38 = vector.load %arg8[%get3A_36, %get3A_37] : memref<1x128xf32, #tpu.memory_space<vmem>>, vector<1x128xf32>
    %add3A_39 = vector.broadcast %get3A_38 : vector<1x128xf32> to vector<2000x128xf32>
    %add3A_40 = arith.addf %dot_general3A_35, %add3A_39 : vector<2000x128xf32>
    %max3A_41 = arith.constant 0.000000e+00 : f32
    %max3A_42 = vector.broadcast %max3A_41 : f32 to vector<2000x128xf32>
    %max3A_43 = arith.maximumf %add3A_40, %max3A_42 : vector<2000x128xf32>
    %get3A_44 = arith.constant 0 : index
    %get3A_45 = arith.constant 0 : index
    %get3A_46 = vector.load %arg9[%get3A_44, %get3A_45] : memref<128x128xf32, #tpu.memory_space<vmem>>, vector<128x128xf32>
    %dot_general3A_47 = arith.constant dense<0.000000e+00> : vector<2000x128xf32>
    %dot_general3A_48 = tpu.matmul %max3A_43, %get3A_46, %dot_general3A_47 {dimension_numbers = #tpu.dot_dimension_numbers<[1], [1], [0], [0], [0, 0, 1, 0], [], []>, transpose_lhs_hint = false} : vector<2000x128xf32>, vector<128x128xf32>, vector<2000x128xf32> -> vector<2000x128xf32>
    %get3A_49 = arith.constant 0 : index
    %get3A_50 = arith.constant 0 : index
    %get3A_51 = vector.load %arg10[%get3A_49, %get3A_50] : memref<1x128xf32, #tpu.memory_space<vmem>>, vector<1x128xf32>
    %add3A_52 = vector.broadcast %get3A_51 : vector<1x128xf32> to vector<2000x128xf32>
    %add3A_53 = arith.addf %dot_general3A_48, %add3A_52 : vector<2000x128xf32>
    %max3A_54 = arith.constant 0.000000e+00 : f32
    %max3A_55 = vector.broadcast %max3A_54 : f32 to vector<2000x128xf32>
    %max3A_56 = arith.maximumf %add3A_53, %max3A_55 : vector<2000x128xf32>
    %get3A_57 = arith.constant 0 : index
    %get3A_58 = arith.constant 0 : index
    %get3A_59 = vector.load %arg11[%get3A_57, %get3A_58] : memref<128x128xf32, #tpu.memory_space<vmem>>, vector<128x128xf32>
    %dot_general3A_60 = arith.constant dense<0.000000e+00> : vector<2000x128xf32>
    %dot_general3A_61 = tpu.matmul %max3A_56, %get3A_59, %dot_general3A_60 {dimension_numbers = #tpu.dot_dimension_numbers<[1], [1], [0], [0], [0, 0, 1, 0], [], []>, transpose_lhs_hint = false} : vector<2000x128xf32>, vector<128x128xf32>, vector<2000x128xf32> -> vector<2000x128xf32>
    %get3A_62 = arith.constant 0 : index
    %get3A_63 = arith.constant 0 : index
    %get3A_64 = vector.load %arg12[%get3A_62, %get3A_63] : memref<1x128xf32, #tpu.memory_space<vmem>>, vector<1x128xf32>
    %add3A_65 = vector.broadcast %get3A_64 : vector<1x128xf32> to vector<2000x128xf32>
    %add3A_66 = arith.addf %dot_general3A_61, %add3A_65 : vector<2000x128xf32>
    %tanh3A = math.tanh %add3A_66 : vector<2000x128xf32>
    %swap3A = arith.constant 0 : index
    %swap3A_67 = arith.constant 0 : index
    %swap3A_68 = vector.load %arg13[%swap3A, %swap3A_67] : memref<2000x128xf32, #tpu.memory_space<vmem>>, vector<2000x128xf32>
    tpu.vector_store %arg13[%swap3A, %swap3A_67], %tanh3A {strides = array<i32>} : memref<2000x128xf32, #tpu.memory_space<vmem>>, vector<2000x128xf32>,
    return
  }
  func.func @transform_0(%arg0: i32) -> (i32, i32, i32) {
    %c0_i32 = arith.constant 0 : i32
    %c0_i32_0 = arith.constant 0 : i32
    %c0_i32_1 = arith.constant 0 : i32
    return %c0_i32, %arg0, %c0_i32_0 : i32, i32, i32
  }
  func.func @transform_1(%arg0: i32) -> (i32, i32, i32) {
    %c1_i32 = arith.constant 1 : i32
    %c0_i32 = arith.constant 0 : i32
    %c0_i32_0 = arith.constant 0 : i32
    return %c1_i32, %arg0, %c0_i32 : i32, i32, i32
  }
  func.func @transform_2(%arg0: i32) -> (i32, i32) {
    %c0_i32 = arith.constant 0 : i32
    %c0_i32_0 = arith.constant 0 : i32
    return %arg0, %c0_i32 : i32, i32
  }
  func.func @transform_3(%arg0: i32) -> (i32, i32) {
    %c0_i32 = arith.constant 0 : i32
    %c0_i32_0 = arith.constant 0 : i32
    %c0_i32_1 = arith.constant 0 : i32
    return %c0_i32, %c0_i32_0 : i32, i32
  }
  func.func @transform_4(%arg0: i32) -> (i32, i32) {
    %c0_i32 = arith.constant 0 : i32
    %c0_i32_0 = arith.constant 0 : i32
    %c0_i32_1 = arith.constant 0 : i32
    return %c0_i32, %c0_i32_0 : i32, i32
  }
  func.func @transform_5(%arg0: i32) -> (i32, i32) {
    %c0_i32 = arith.constant 0 : i32
    %c0_i32_0 = arith.constant 0 : i32
    %c0_i32_1 = arith.constant 0 : i32
    return %c0_i32, %c0_i32_0 : i32, i32
  }
  func.func @transform_6(%arg0: i32) -> (i32, i32) {
    %c0_i32 = arith.constant 0 : i32
    %c0_i32_0 = arith.constant 0 : i32
    %c0_i32_1 = arith.constant 0 : i32
    return %c0_i32, %c0_i32_0 : i32, i32
  }
  func.func @transform_7(%arg0: i32) -> (i32, i32) {
    %c0_i32 = arith.constant 0 : i32
    %c0_i32_0 = arith.constant 0 : i32
    %c0_i32_1 = arith.constant 0 : i32
    return %c0_i32, %c0_i32_0 : i32, i32
  }
  func.func @transform_8(%arg0: i32) -> (i32, i32) {
    %c0_i32 = arith.constant 0 : i32
    %c0_i32_0 = arith.constant 0 : i32
    %c0_i32_1 = arith.constant 0 : i32
    return %c0_i32, %c0_i32_0 : i32, i32
  }
  func.func @transform_9(%arg0: i32) -> (i32, i32) {
    %c0_i32 = arith.constant 0 : i32
    %c0_i32_0 = arith.constant 0 : i32
    %c0_i32_1 = arith.constant 0 : i32
    return %c0_i32, %c0_i32_0 : i32, i32
  }
  func.func @transform_10(%arg0: i32) -> (i32, i32) {
    %c0_i32 = arith.constant 0 : i32
    %c0_i32_0 = arith.constant 0 : i32
    %c0_i32_1 = arith.constant 0 : i32
    return %c0_i32, %c0_i32_0 : i32, i32
  }
  func.func @transform_11(%arg0: i32) -> (i32, i32) {
    %c0_i32 = arith.constant 0 : i32
    %c0_i32_0 = arith.constant 0 : i32
    %c0_i32_1 = arith.constant 0 : i32
    return %c0_i32, %c0_i32_0 : i32, i32
  }
  func.func @transform_12(%arg0: i32) -> (i32, i32) {
    %c0_i32 = arith.constant 0 : i32
    %c0_i32_0 = arith.constant 0 : i32
    return %arg0, %c0_i32 : i32, i32
  }
}

</mosaic_0001>

<sc_bundles>
// kernel: kernel.12.cloned.1.call-start
scs
__scs_entry_jumppad:
0x0: {  	(pc) =	sbr.rel $0x88, $3  }
0x1: {  	(tag) =	ssettag $0x0;
	lr =	simm.s32 $0x1  }
0x2: {  	[smem:$0x3F8A] =	sst lr;
	_ =	strace $0xD0000000  }
0x3: {  	_ = 	snop  }
0x4: {  	_ = 	snop  }
0x5: {  	_ = 	snop  }
0x6: {  	_ = 	snop  }
0x7: {  	_ = 	snop  }
__scs_overlays_trampoline_lowered:
0x8: {  	[smem:$0x3F99] =	sst s0  }
0x9: {  	[smem:$0x3F9A] =	sst s1  }
0xa: {  	[smem:$0x3F9B] =	sst s2  }
0xb: {  	[smem:$0x3F9C] =	sst s3  }
0xc: {  	[smem:$0x3F9D] =	sst s4  }
0xd: {  	[smem:$0x3F9E] =	sst s5  }
0xe: {  	[smem:$0x3F9F] =	sst s6  }
0xf: {  	[smem:$0x3FA0] =	sst s7  }
0x10: {  	[smem:$0x3FA1] =	sst s8  }
0x11: {  	[smem:$0x3FA2] =	sst s9;
	s0 =	simm.s32 @!p0 $0x0  }
0x12: {  	s1 =	sld [smem:$0x3F88];
	s0 =	simm.s32 @p0 $0x1  }
0x13: {  	[smem:$0x3FA3] =	sst s0;
	s0 =	simm.s32 @!p1 $0x0  }
0x14: {  	s2 =	sld [smem:$0x3F87];
	s0 =	simm.s32 @p1 $0x1  }
0x15: {  	[smem:$0x3FA4] =	sst s0;
	s0 =	simm.s32 @!p2 $0x0  }
0x16: {  	s3 =	sld [smem:$0x3FDB];
	s0 =	simm.s32 @p2 $0x1  }
0x17: {  	s4 =	simm.s32 $0x1BF5;
	[smem:$0x3FA6] =	sst s0  }
0x18: {  	s0 =	sld [smem:$0x3F89];
	_ =	swait.ge [sflag:s4], $0x0  }
0x19: {  	s7 =	sld [smem:$0x3F8A]  }
0x1a: {  	s8 =	sadd.s32 $0xFFFFE003, lr  }
0x1b: {  	s9 =	sadd.s32 $0xFFFFFEF7, lr;
	s5 =	simm.s32 $0xFFFFFFFF;
	p2 =	slt.u32 s8, $0xFFFFF086  }
0x1c: {  	p1 =	slt.u32 s9, $0xF7A;
	s5 =	simm.s32 @!p2 $0x0  }
0x1d: {  	s5 =	simm.s32 @p1 $0x1;
	p0 =	seq.s32 s7, s2  }
0x1e: {  	s7 =	smul.u32 @!p0 $0xF7A, s2;
	p2 =	seq.s32 @!p0 s5, $0x0  }
0x1f: {  	s9 =	smul.u32 $0xF7A, s1;
	s8 =	simm.s32 @!p0 $0x1BF5;
	p2 =	por !p2, p0  }
0x20: {  	[sflag:s8] =	ssyncset.s32 @!p0 $0xFFFFF086;
	s6 =	sadd.s32 @!p0 s3, s7;
	s7 =	simm.s32 @!p0 $0x108  }
0x21: {  	s3 =	sadd.s32 s3, s9;
	s6 =	sadd.s32 @!p0 $0x88, s6;
	s7 =	simm.s32 @p2 $0x1082  }
0x22: {  	[simem:s7], [sflag:s8] =	dma.local @!p0 [hbm:s6], $0xF7A  }
0x23: {  	s9 =	sor.u32 $0xD0000000, s2;
	s6 =	simm.s32 $0x108;
	_ =	swait.ge @!p0 [sflag:s8], $0x0  }
0x24: {  	s3 =	sadd.s32 $0x88, s3;
	s6 =	simm.s32 @!p1 $0x1082;
	[sflag:s4] =	ssyncset.s32 $0xFFFFF086  }
0x25: {  	[simem:s6], [sflag:s4] =	dma.local [hbm:s3], $0xF7A  }
0x26: {  	[smem:$0x3F8A] =	sst s1;
	(tag) =	ssettag s2;
	_ =	strace s9  }
0x27: {  	s1 =	sld [smem:$0x3F9A]  }
0x28: {  	s2 =	sld [smem:$0x3F9B]  }
0x29: {  	s4 =	sld [smem:$0x3F9D]  }
0x2a: {  	p0 =	seq.s32 s5, $0x0;
	s5 =	sld [smem:$0x3F9E]  }
0x2b: {  	s6 =	sld [smem:$0x3F9F]  }
0x2c: {  	s7 =	sld [smem:$0x3FA0]  }
0x2d: {  	s3 =	simm.s32 $0x108;
	s8 =	sld [smem:$0x3FA1]  }
0x2e: {  	s3 =	simm.s32 @!p0 $0x1082;
	s9 =	sld [smem:$0x3FA2]  }
0x2f: {  	lr =	sadd.s32 s0, s3;
	s0 =	sld [smem:$0x3F99]  }
0x30: {  	s3 =	sld [smem:$0x3F9C]  }
0x31: {  	[smem:$0x3FA5] =	sst s10  }
0x32: {  	s10 =	sld [smem:$0x3FA3];
	_ =	sdelay $0x3  }
0x33: {  	p0 =	seq.s32 s10, $0x1;
	s10 =	sld [smem:$0x3FA5];
	_ =	sdelay $0x3  }
0x34: {  	[smem:$0x3FA5] =	sst s10  }
0x35: {  	s10 =	sld [smem:$0x3FA4];
	_ =	sdelay $0x3  }
0x36: {  	p1 =	seq.s32 s10, $0x1;
	s10 =	sld [smem:$0x3FA5];
	_ =	sdelay $0x3  }
0x37: {  	[smem:$0x3FA5] =	sst s10  }
0x38: {  	s10 =	sld [smem:$0x3FA6]  }
0x39: {  	_ = 	snop;
	(pc) =	sbr.ind lr, $3  }
0x3a: {  	_ = 	snop  }
0x3b: {  	_ = 	snop  }
0x3c: {  	p2 =	seq.s32 s10, $0x1;
	s10 =	sld [smem:$0x3FA5]  }
0x3d: {  	_ =	shalt  }
0x3e: {  	_ =	shalt  }
0x3f: {  	_ =	shalt  }
0x40: {  	_ =	shalt  }
0x41: {  	_ =	shalt  }
0x42: {  	_ =	shalt  }
0x43: {  	_ =	shalt  }
0x44: {  	_ =	shalt  }
0x45: {  	_ =	shalt  }
0x46: {  	_ =	shalt  }
0x47: {  	_ =	shalt  }
0x48: {  	_ =	shalt  }
0x49: {  	_ =	shalt  }
0x4a: {  	_ =	shalt  }
0x4b: {  	_ =	shalt  }
0x4c: {  	_ =	shalt  }
0x4d: {  	_ =	shalt  }
0x4e: {  	_ =	shalt  }
0x4f: {  	_ =	shalt  }
0x50: {  	_ =	shalt  }
0x51: {  	_ =	shalt  }
0x52: {  	_ =	shalt  }
0x53: {  	_ =	shalt  }
0x54: {  	_ =	shalt  }
0x55: {  	_ =	shalt  }
0x56: {  	_ =	shalt  }
0x57: {  	_ =	shalt  }
0x58: {  	_ =	shalt  }
0x59: {  	_ =	shalt  }
0x5a: {  	_ =	shalt  }
0x5b: {  	_ =	shalt  }
0x5c: {  	_ =	shalt  }
0x5d: {  	_ =	shalt  }
0x5e: {  	_ =	shalt  }
0x5f: {  	_ =	shalt  }
0x60: {  	_ =	shalt  }
0x61: {  	_ =	shalt  }
0x62: {  	_ =	shalt  }
0x63: {  	_ =	shalt  }
0x64: {  	_ =	shalt  }
0x65: {  	_ =	shalt  }
0x66: {  	_ =	shalt  }
0x67: {  	_ =	shalt  }
0x68: {  	_ =	shalt  }
0x69: {  	_ =	shalt  }
0x6a: {  	_ =	shalt  }
0x6b: {  	_ =	shalt  }
0x6c: {  	_ =	shalt  }
0x6d: {  	_ =	shalt  }
0x6e: {  	_ =	shalt  }
0x6f: {  	_ =	shalt  }
0x70: {  	_ =	shalt  }
0x71: {  	_ =	shalt  }
0x72: {  	_ =	shalt  }
0x73: {  	_ =	shalt  }
0x74: {  	_ =	shalt  }
0x75: {  	_ =	shalt  }
0x76: {  	_ =	shalt  }
0x77: {  	_ =	shalt  }
0x78: {  	_ =	shalt  }
0x79: {  	_ =	shalt  }
0x7a: {  	_ =	shalt  }
0x7b: {  	_ =	shalt  }
0x7c: {  	_ =	shalt  }
0x7d: {  	_ =	shalt  }
0x7e: {  	_ =	shalt  }
0x7f: {  	_ =	shalt  }
0x80: {  	_ =	shalt  }
0x81: {  	_ =	shalt  }
0x82: {  	_ =	shalt  }
0x83: {  	_ =	shalt  }
0x84: {  	_ =	shalt  }
0x85: {  	_ =	shalt  }
0x86: {  	_ =	shalt  }
0x87: {  	_ =	shalt  }
.Lfunc_end0:
.L_simem_size_0:
called_computation_lowered:
.L_overlay_start_0:
0x88: {  	s2 =	sld [smem:$0x3FD9]  }
0x89: {  	s3 =	sld [smem:$0x3FFE];
	_ =	sdelay $0x1  }
0x8a: {  	s1 =	srdreg.scid  }
0x8b: {  	s0 =	sand.u32 $0x1, s1  }
0x8c: {  	s17 =	sshll.u32 s0, $0xA;
	s2 =	sadd.s32 s3, s2  }
0x8d: {  	s2 =	sadd.s32 s2, s17  }
0x8e: {  	[smem:$0x3FB1] =	sst s2  }
0x8f: {  	_ = 	snop  }
0x90: {  	s2 =	sld [smem:$0x3FD0];
	(tm) =	ssettm $0x1  }
0x91: {  	s18 =	sld [smem:$0x3FFB];
	_ =	sdelay $0x3  }
0x92: {  	_ =	strace s18  }
0x93: {  	s3 =	sld [smem:$0x3FFC];
	_ =	sdelay $0x3  }
0x94: {  	_ =	strace s3  }
0x95: {  	s3 =	sld [smem:$0x3FFD];
	_ =	sdelay $0x3  }
0x96: {  	_ =	strace s3  }
0x97: {  	_ =	strace $0x8FFFFFFF  }
0x98: {  	s19 =	sld [smem:$0x3FDB];
	_ =	sdelay $0x1  }
0x99: {  	s4 =	simm.s32 $_scs_section_size  }
0x9a: {  	s5 =	simm.s32 $_size__tile_overlayer_lowered;
	s6 =	simm.s32 $_tile_overlayer_lowered  }
0x9b: {  	s22 =	simm.s32 $0x1BFF;
	s21 =	sshll.u32 s6, $0x1;
	s3 =	sadd.s32 s4, s19  }
0x9c: {  	s7 =	simm.s32 $0x0;
	s20 =	sshll.u32 s5, $0x1;
	s5 =	sadd.s32 s21, s3  }
0x9d: {  	[timem:s7], [sflag:s22] =	dma.local [hbm:s5], s20  }
0x9e: {  	_ =	swait.ge [sflag:s22], s20  }
0x9f: {  	s4 =	ssub.s32 $0x0, s20;
	[sflag:s22] =	ssyncset.done $0x0  }
0xa0: {  	[sflag:s22] =	ssyncadd.s32 s4;
	_ =	sdelay $0x1  }
0xa1: {  	s23 =	simm.s32 $0x1B8B  }
0xa2: {  	_ =	swait.ge [sflag:s23], $0x1  }
0xa3: {  	[sflag:s23] =	ssyncset.done $0x0  }
0xa4: {  	s25 =	simm.s32 $0x1B8E;
	s24 =	sld [smem:$0x3FFE];
	[sflag:s23] =	ssyncadd.s32 $0xFFFFFFFF  }
0xa5: {  	s26 =	simm.s32 $execute0_lowered;
	[smem:$0x3FD2] =	sst s25  }
0xa6: {  	s5 =	sshll.u32 s26, $0x1;
	_ =	strace $0x80000046;
	[dreg:$0x1] =	wrdreg $0xFFFFFFFF  }
0xa7: {  	s28 =	simm.s32 $_size_execute0_lowered;
	s3 =	sadd.s32 s3, s5;
	[dreg:$0x0] =	wrdreg $0x0  }
0xa8: {  	s5 =	sshll.u32 s28, $0x1;
	[dreg:$0x2] =	wrdreg s3  }
0xa9: {  	[dreg:$0x3] =	wrdreg s5  }
0xaa: {  	[dreg:$0x4] =	wrdreg $0xC0  }
0xab: {  	_ =	task [dreg:s7], $0x5FFFF  }
0xac: {  	[dreg:$0x1] =	wrdreg $0xFFFFFFFF  }
0xad: {  	[dreg:$0x0] =	wrdreg $0x60  }
0xae: {  	[dreg:$0x2] =	wrdreg s24  }
0xaf: {  	[dreg:$0x3] =	wrdreg s2  }
0xb0: {  	[dreg:$0x4] =	wrdreg $0x0  }
0xb1: {  	[dreg:$0x5] =	wrdreg $0x9  }
0xb2: {  	_ =	task.clear_ibuf [dreg:s7], $0x6FFFF;
	_ =	strace $0x90000046  }
0xb3: {  	s29 =	simm.s32 $0x9;
	_ =	strace $0x80000048  }
0xb4: {  	_ =	swait.ge [sflag:s29], $0x1  }
0xb5: {  	[sflag:s29] =	ssyncadd.s32 $0xFFFFFFFF  }
0xb6: {  	_ =	strace $0x90000048  }
0xb7: {  	_ =	sfence  }
0xb8: {  	s30 =	sld [smem:$0x0];
	_ =	sdelay $0x2  }
0xb9: {  	s31 =	sshll.u32 s1, $0xD;
	s1 =	sshrl.u32 s1, $0x2  }
0xba: {  	s3 =	sand.u32 $0x4000, s31;
	s1 =	sadd.s32 s1, s30  }
0xbb: {  	s0 =	sor.u32 s3, s0;
	s1 =	sshll.u32 s1, $0x11  }
0xbc: {  	s0 =	sor.u32 s1, s0  }
0xbd: {  	s0 =	sadd.s32 $0x8F2B, s0  }
0xbe: {  	[sflag:s0] =	ssyncadd.remote.s32 $0x1  }
0xbf: {  	_ =	sfence.sel $0xFFFF  }
0xc0: {  	[dreg:$0x0] =	wrdreg $0xFFFFFFFF;
	(pc) =	sbr.abs _section_cstart, $3  }
0xc1: {  	[dreg:$0x1] =	wrdreg $0xFFFFFFFF  }
0xc2: {  	_ =	task.clear_ibuf [dreg:s7], $0x2FFFF;
	_ =	strace $0x9FFFFFFF  }
0xc3: {  	(tm) =	ssettm $0x7FFFFFFF  }
tec
execute0_lowered:
.L_overlay_start_1:
0x0: {  	(tag) =	ssettag $0x1  }
0x1: {  	s9 =	rddreg [dreg:$0x0]  }
0x2: {  	s1 =	rddreg [dreg:$0x1]  }
0x3: {  	s3 =	rddreg [dreg:$0x2]  }
0x4: {  	s0 =	rddreg [dreg:$0x3]  }
0x5: {  	s4 =	simm.s32 $0x0;
	s5 =	srdreg.scid;
	s2 =	stileid.u32  }
0x6: {  	s18 =	simm.s32 $0x14100;
	s19 =	simm.s32 $0x80;
	s20 =	simm.s32 $0x14900  }
0x7: {  	[smem:$0x7FF] =	sst s4;
	s10 =	sand.u32 $0x1, s5;
	s11 =	smul.u32 $0x4E000, s2  }
0x8: {  	s5 =	sadd.s32 $0xEA00, s9;
	s6 =	sadd.s32 $0x4A00, s9;
	s8 =	smul.u32 $0x5000, s2  }
0x9: {  	s7 =	sadd.s32 $0x5CC00, s9;
	s13 =	sadd.s32 $0x5F600, s9;
	s15 =	smul.u32 $0x13800, s2  }
0xa: {  	s17 =	sadd.s32 $0x124800, s3;
	s12 =	smul.u32 $0x50000, s10;
	s29 =	ssub.s32 $0x2, s10  }
0xb: {  	p0 =	seq.s32 s2, $0xF;
	s10 =	smul.u32 $0x138800, s10;
	s14 =	sshrl.u32 s29, $0x1  }
0xc: {  	_ =	strace $0x80000047;
	s11 =	sshrl.u32 s11, $0x2;
	s14 =	ssub.s32 s29, s14  }
0xd: {  	s16 =	sadd.s32 s11, s3;
	s9 =	sadd.s32 s12, s8;
	s30 =	sadd.s32 s15, s10  }
0xe: {  	s10 =	sshrl.u32 s10, $0x3;
	s15 =	sshll.u32 @!p0 s2, $0x6;
	s11 =	sshrl.u32 s30, $0x3  }
0xf: {  	s31 =	sadd.s32 s13, s10;
	s12 =	smax.u32 s14, $0x1;
	s14 =	sor.u32 @!p0 $0x1C01, s15  }
0x10: {  	s15 =	sshrl.u32 @!p0 s16, $0x3;
	s16 =	simm.s32 $0x13900;
	s10 =	sadd.s32 s13, s11  }
0x11: {  	s11 =	sadd.s32 $0x24900, s31;
	s13 =	sshrl.u32 @p0 s17, $0x3;
	s17 =	simm.s32 $0x1  }
.LBB2_1:
0x12: {  	s21 =	simm.s32 @p0 $0x1FC1  }
0x13: {  	[spmem:s13], [sflag:s21] =	dma.local @p0 [hbm:s7], $0x2900  }
0x14: {  	s21 =	simm.s32 @p0 $0x1  }
0x15: {  	_ =	swait.ge @p0 [sflag:s21], $0x2900  }
0x16: {  	[sflag:s21] =	ssyncset.done @p0 $0x0  }
0x17: {  	[sflag:s21] =	ssyncadd.s32 @p0 $0xFFFFD700;
	s21 =	simm.s32 @!p0 $0x1  }
0x18: {  	[spmem:s15], [sflag:s14] =	dma.local @!p0 [hbm:s7], $0x2700  }
0x19: {  	_ =	swait.ge @!p0 [sflag:s21], $0x2700  }
0x1a: {  	[sflag:s21] =	ssyncset.done @!p0 $0x0  }
0x1b: {  	[sflag:s21] =	ssyncadd.s32 @!p0 $0xFFFFD900  }
0x1c: {  	s21 =	simm.s32 $0x0;
	[bflag:$0x0] =	sbarrier.arrive $0xFFFF  }
.LBB2_2:
0x1d: {  	s22 =	sshll.u32 s21, $0xB  }
0x1e: {  	s23 =	sadd.s32 s9, s22  }
0x1f: {  	s23 =	sshrl.u32 s23, $0x3  }
0x20: {  	s24 =	simm.s32 $0x0;
	s23 =	sadd.s32 s1, s23  }
0x21: {  	[tilespmem:s16], [sflag:$0x1] =	stream.linear.gather [hbm4b:s23+s24], $0x800, $0x38;
	[tilespmem:$0x18900] =	vst v63  }
0x22: {  	s22 =	sadd.s32 s8, s22;
	_ =	swait.ge [sflag:s17], $0x800  }
0x23: {  	s22 =	sshrl.u32 s22, $0x3;
	[sflag:s17] =	ssyncset.done $0x0  }
0x24: {  	s22 =	sadd.s32 s6, s22;
	[sflag:s17] =	ssyncadd.s32 $0xFFFFF800  }
0x25: {  	[tilespmem:s18], [sflag:$0x1] =	stream.linear.gather [hbm4b:s22+s24], $0x800, $0x38;
	[tilespmem:$0x18900] =	vst v63  }
0x26: {  	_ =	swait.ge [sflag:s17], $0x800  }
0x27: {  	[sflag:s17] =	ssyncset.done $0x0  }
0x28: {  	s30 =	simm.s32 $0x13900;
	[sflag:s17] =	ssyncadd.s32 $0xFFFFF800  }
0x29: {  	[tilespmem:s20], [sflag:$0x1] =	stream.indirect.gather [hbm4b:s5+s19], $0x80, s30, s19, $0xb8;
	[tilespmem:$0x18900] =	vst v63  }
0x2a: {  	_ =	swait.ge [sflag:s17], $0x4000  }
0x2b: {  	[sflag:s17] =	ssyncset.done $0x0  }
0x2c: {  	s31 =	simm.s32 $0x14100;
	[sflag:s17] =	ssyncadd.s32 $0xFFFFC000  }
0x2d: {  	[spmem:s3] =	stream.indirect.scatter.add.f32 [tilespmem:s20], [sflag:$0x1], $0x80, s31, s19, $0xb8;
	[tilespmem:$0x18900] =	vst v63  }
0x2e: {  	_ =	swait.ge [sflag:s17], $0x4000  }
0x2f: {  	s23 =	simm.s32 $0x400;
	s22 =	simm.s32 $0x80;
	[sflag:s17] =	ssyncset.done $0x0  }
.LBB2_3:
0x30: {  	s24 =	sadd.s32 $0x13900, s22  }
0x31: {  	[sflag:s17] =	ssyncadd.s32 $0xFFFFC000;
	s25 =	smov.u32 s23;
	s26 =	sadd.s32 $0x200, s23  }
0x32: {  	[tilespmem:s20], [sflag:$0x1] =	stream.indirect.gather [hbm4b:s5+s19], $0x80, s24, s19, $0xb8;
	[tilespmem:$0x18900] =	vst v63  }
0x33: {  	p1 =	sne.s32 s23, $0x1E00;
	_ =	swait.ge [sflag:s17], $0x4000  }
.Ltmp0:
0x34: {  	[sflag:s17] =	ssyncset.done $0x0;
	(pc) =	sbr.rel @p1 .LBB2_3-.Ltmp0, $4  }
0x35: {  	s22 =	sadd.s32 $0x14100, s22;
	[sflag:s17] =	ssyncadd.s32 $0xFFFFC000  }
0x36: {  	[spmem:s3] =	stream.indirect.scatter.add.f32 [tilespmem:s20], [sflag:$0x1], $0x80, s22, s19, $0xb8;
	[tilespmem:$0x18900] =	vst v63  }
0x37: {  	_ =	swait.ge [sflag:s17], $0x4000  }
0x38: {  	s23 =	smov.u32 s26;
	s22 =	sshra.s32 s25, $0x2;
	[sflag:s17] =	ssyncset.done $0x0  }
0x39: {  	s23 =	sadd.s32 $0x13900, s22;
	[sflag:s17] =	ssyncadd.s32 $0xFFFFC000  }
0x3a: {  	[tilespmem:s20], [sflag:$0x1] =	stream.indirect.gather [hbm4b:s5+s19], $0x80, s23, s19, $0xb8;
	[tilespmem:$0x18900] =	vst v63  }
0x3b: {  	s21 =	sadd.s32 $0x1, s21;
	_ =	swait.ge [sflag:s17], $0x4000  }
0x3c: {  	p1 =	sne.s32 s21, $0xA;
	[sflag:s17] =	ssyncset.done $0x0  }
.Ltmp1:
0x3d: {  	s31 =	sadd.s32 $0x14100, s22;
	[sflag:s17] =	ssyncadd.s32 $0xFFFFC000;
	(pc) =	sbr.rel @p1 .LBB2_2-.Ltmp1, $4  }
0x3e: {  	[spmem:s3] =	stream.indirect.scatter.add.f32 [tilespmem:s20], [sflag:$0x1], $0x80, s31, s19, $0xb8;
	[tilespmem:$0x18900] =	vst v63  }
0x3f: {  	_ =	swait.ge [sflag:s17], $0x4000  }
0x40: {  	[sflag:s17] =	ssyncset.done $0x0  }
0x41: {  	[sflag:s17] =	ssyncadd.s32 $0xFFFFC000  }
0x42: {  	[bflag:$0x0] =	sbarrier.arrive $0xFFFF;
	s21 =	simm.s32 @p0 $0x1FC1  }
0x43: {  	[hbm:s11], [sflag:s21] =	dma.local @p0 [spmem:s13], $0x2800  }
0x44: {  	s21 =	simm.s32 @p0 $0x1  }
0x45: {  	s4 =	sadd.s32 $0x1, s4;
	_ =	swait.ge @p0 [sflag:s21], $0x2800  }
0x46: {  	p1 =	sne.s32 s4, s12;
	[sflag:s21] =	ssyncset.done @p0 $0x0  }
.Ltmp2:
0x47: {  	[sflag:s21] =	ssyncadd.s32 @p0 $0xFFFFD800;
	s21 =	simm.s32 @!p0 $0x1;
	(pc) =	sbr.rel @p1 .LBB2_1-.Ltmp2, $4  }
0x48: {  	[hbm:s10], [sflag:s14] =	dma.local @!p0 [spmem:s15], $0x2700  }
0x49: {  	_ =	swait.ge @!p0 [sflag:s21], $0x2700  }
0x4a: {  	[sflag:s21] =	ssyncset.done @!p0 $0x0  }
0x4b: {  	[sflag:s21] =	ssyncadd.s32 @!p0 $0xFFFFD900  }
0x4c: {  	_ =	sfence.sel $0x180000  }
0x4d: {  	[bflag:$0x0] =	sbarrier.arrive $0xFFFF  }
0x4e: {  	p0 =	sne.s32 s2, $0x0;
	_ =	strace $0x90000047  }
0x4f: {  	s0 =	sadd.s32 @!p0 $0x100000, s0;
	[bflag:$0x2] =	sbarrier.arrive $0xFFFF  }
0x50: {  	[sflag:s0] =	ssyncadd.tile.s32 @!p0 $0x1;
	_ =	shalt  }
.Lfunc_end2:
_tile_overlayer_lowered:
.L_overlay_start_2:
0x51: {  	(tag) =	ssettag $0x2  }
0x52: {  	s0 =	rddreg [dreg:$0x0];
	s2 =	stileid.u32  }
0x53: {  	s1 =	rddreg [dreg:$0x1];
	p0 =	sne.s32 s2, $0x0  }
0x54: {  	s3 =	rddreg [dreg:$0x2];
	[bflag:$0x3] =	sbarrier.arrive $0xFFFF;
	s2 =	simm.s32 @!p0 $0x1C01  }
0x55: {  	[timem:s3], [sflag:s2] =	dma.local @!p0 [hbm:s0], s1  }
0x56: {  	s0 =	simm.s32 @!p0 $0x1  }
0x57: {  	_ =	swait.ge @!p0 [sflag:s0], s1  }
0x58: {  	s1 =	ssub.s32 @!p0 $0x0, s1;
	[sflag:s0] =	ssyncset.done @!p0 $0x0  }
0x59: {  	[sflag:s0] =	ssyncadd.s32 @!p0 s1  }
0x5a: {  	[bflag:$0x3] =	sbarrier.arrive $0xFFFF  }
0x5b: {  	_ =	shalt  }

// kernel: kernel.15.cloned.1.call-start
scs
__scs_entry_jumppad:
0x0: {  	(pc) =	sbr.rel $0x88, $3  }
0x1: {  	(tag) =	ssettag $0x0;
	lr =	simm.s32 $0x1  }
0x2: {  	[smem:$0x3F8A] =	sst lr;
	_ =	strace $0xD0000000  }
0x3: {  	_ = 	snop  }
0x4: {  	_ = 	snop  }
0x5: {  	_ = 	snop  }
0x6: {  	_ = 	snop  }
0x7: {  	_ = 	snop  }
__scs_overlays_trampoline_lowered:
0x8: {  	[smem:$0x3F99] =	sst s0  }
0x9: {  	[smem:$0x3F9A] =	sst s1  }
0xa: {  	[smem:$0x3F9B] =	sst s2  }
0xb: {  	[smem:$0x3F9C] =	sst s3  }
0xc: {  	[smem:$0x3F9D] =	sst s4  }
0xd: {  	[smem:$0x3F9E] =	sst s5  }
0xe: {  	[smem:$0x3F9F] =	sst s6  }
0xf: {  	[smem:$0x3FA0] =	sst s7  }
0x10: {  	[smem:$0x3FA1] =	sst s8  }
0x11: {  	[smem:$0x3FA2] =	sst s9;
	s0 =	simm.s32 @!p0 $0x0  }
0x12: {  	s1 =	sld [smem:$0x3F88];
	s0 =	simm.s32 @p0 $0x1  }
0x13: {  	[smem:$0x3FA3] =	sst s0;
	s0 =	simm.s32 @!p1 $0x0  }
0x14: {  	s2 =	sld [smem:$0x3F87];
	s0 =	simm.s32 @p1 $0x1  }
0x15: {  	[smem:$0x3FA4] =	sst s0;
	s0 =	simm.s32 @!p2 $0x0  }
0x16: {  	s3 =	sld [smem:$0x3FDB];
	s0 =	simm.s32 @p2 $0x1  }
0x17: {  	s4 =	simm.s32 $0x1BF5;
	[smem:$0x3FA6] =	sst s0  }
0x18: {  	s0 =	sld [smem:$0x3F89];
	_ =	swait.ge [sflag:s4], $0x0  }
0x19: {  	s7 =	sld [smem:$0x3F8A]  }
0x1a: {  	s8 =	sadd.s32 $0xFFFFE003, lr  }
0x1b: {  	s9 =	sadd.s32 $0xFFFFFEF7, lr;
	s5 =	simm.s32 $0xFFFFFFFF;
	p2 =	slt.u32 s8, $0xFFFFF086  }
0x1c: {  	p1 =	slt.u32 s9, $0xF7A;
	s5 =	simm.s32 @!p2 $0x0  }
0x1d: {  	s5 =	simm.s32 @p1 $0x1;
	p0 =	seq.s32 s7, s2  }
0x1e: {  	s7 =	smul.u32 @!p0 $0xF7A, s2;
	p2 =	seq.s32 @!p0 s5, $0x0  }
0x1f: {  	s9 =	smul.u32 $0xF7A, s1;
	s8 =	simm.s32 @!p0 $0x1BF5;
	p2 =	por !p2, p0  }
0x20: {  	[sflag:s8] =	ssyncset.s32 @!p0 $0xFFFFF086;
	s6 =	sadd.s32 @!p0 s3, s7;
	s7 =	simm.s32 @!p0 $0x108  }
0x21: {  	s3 =	sadd.s32 s3, s9;
	s6 =	sadd.s32 @!p0 $0x88, s6;
	s7 =	simm.s32 @p2 $0x1082  }
0x22: {  	[simem:s7], [sflag:s8] =	dma.local @!p0 [hbm:s6], $0xF7A  }
0x23: {  	s9 =	sor.u32 $0xD0000000, s2;
	s6 =	simm.s32 $0x108;
	_ =	swait.ge @!p0 [sflag:s8], $0x0  }
0x24: {  	s3 =	sadd.s32 $0x88, s3;
	s6 =	simm.s32 @!p1 $0x1082;
	[sflag:s4] =	ssyncset.s32 $0xFFFFF086  }
0x25: {  	[simem:s6], [sflag:s4] =	dma.local [hbm:s3], $0xF7A  }
0x26: {  	[smem:$0x3F8A] =	sst s1;
	(tag) =	ssettag s2;
	_ =	strace s9  }
0x27: {  	s1 =	sld [smem:$0x3F9A]  }
0x28: {  	s2 =	sld [smem:$0x3F9B]  }
0x29: {  	s4 =	sld [smem:$0x3F9D]  }
0x2a: {  	p0 =	seq.s32 s5, $0x0;
	s5 =	sld [smem:$0x3F9E]  }
0x2b: {  	s6 =	sld [smem:$0x3F9F]  }
0x2c: {  	s7 =	sld [smem:$0x3FA0]  }
0x2d: {  	s3 =	simm.s32 $0x108;
	s8 =	sld [smem:$0x3FA1]  }
0x2e: {  	s3 =	simm.s32 @!p0 $0x1082;
	s9 =	sld [smem:$0x3FA2]  }
0x2f: {  	lr =	sadd.s32 s0, s3;
	s0 =	sld [smem:$0x3F99]  }
0x30: {  	s3 =	sld [smem:$0x3F9C]  }
0x31: {  	[smem:$0x3FA5] =	sst s10  }
0x32: {  	s10 =	sld [smem:$0x3FA3];
	_ =	sdelay $0x3  }
0x33: {  	p0 =	seq.s32 s10, $0x1;
	s10 =	sld [smem:$0x3FA5];
	_ =	sdelay $0x3  }
0x34: {  	[smem:$0x3FA5] =	sst s10  }
0x35: {  	s10 =	sld [smem:$0x3FA4];
	_ =	sdelay $0x3  }
0x36: {  	p1 =	seq.s32 s10, $0x1;
	s10 =	sld [smem:$0x3FA5];
	_ =	sdelay $0x3  }
0x37: {  	[smem:$0x3FA5] =	sst s10  }
0x38: {  	s10 =	sld [smem:$0x3FA6]  }
0x39: {  	_ = 	snop;
	(pc) =	sbr.ind lr, $3  }
0x3a: {  	_ = 	snop  }
0x3b: {  	_ = 	snop  }
0x3c: {  	p2 =	seq.s32 s10, $0x1;
	s10 =	sld [smem:$0x3FA5]  }
0x3d: {  	_ =	shalt  }
0x3e: {  	_ =	shalt  }
0x3f: {  	_ =	shalt  }
0x40: {  	_ =	shalt  }
0x41: {  	_ =	shalt  }
0x42: {  	_ =	shalt  }
0x43: {  	_ =	shalt  }
0x44: {  	_ =	shalt  }
0x45: {  	_ =	shalt  }
0x46: {  	_ =	shalt  }
0x47: {  	_ =	shalt  }
0x48: {  	_ =	shalt  }
0x49: {  	_ =	shalt  }
0x4a: {  	_ =	shalt  }
0x4b: {  	_ =	shalt  }
0x4c: {  	_ =	shalt  }
0x4d: {  	_ =	shalt  }
0x4e: {  	_ =	shalt  }
0x4f: {  	_ =	shalt  }
0x50: {  	_ =	shalt  }
0x51: {  	_ =	shalt  }
0x52: {  	_ =	shalt  }
0x53: {  	_ =	shalt  }
0x54: {  	_ =	shalt  }
0x55: {  	_ =	shalt  }
0x56: {  	_ =	shalt  }
0x57: {  	_ =	shalt  }
0x58: {  	_ =	shalt  }
0x59: {  	_ =	shalt  }
0x5a: {  	_ =	shalt  }
0x5b: {  	_ =	shalt  }
0x5c: {  	_ =	shalt  }
0x5d: {  	_ =	shalt  }
0x5e: {  	_ =	shalt  }
0x5f: {  	_ =	shalt  }
0x60: {  	_ =	shalt  }
0x61: {  	_ =	shalt  }
0x62: {  	_ =	shalt  }
0x63: {  	_ =	shalt  }
0x64: {  	_ =	shalt  }
0x65: {  	_ =	shalt  }
0x66: {  	_ =	shalt  }
0x67: {  	_ =	shalt  }
0x68: {  	_ =	shalt  }
0x69: {  	_ =	shalt  }
0x6a: {  	_ =	shalt  }
0x6b: {  	_ =	shalt  }
0x6c: {  	_ =	shalt  }
0x6d: {  	_ =	shalt  }
0x6e: {  	_ =	shalt  }
0x6f: {  	_ =	shalt  }
0x70: {  	_ =	shalt  }
0x71: {  	_ =	shalt  }
0x72: {  	_ =	shalt  }
0x73: {  	_ =	shalt  }
0x74: {  	_ =	shalt  }
0x75: {  	_ =	shalt  }
0x76: {  	_ =	shalt  }
0x77: {  	_ =	shalt  }
0x78: {  	_ =	shalt  }
0x79: {  	_ =	shalt  }
0x7a: {  	_ =	shalt  }
0x7b: {  	_ =	shalt  }
0x7c: {  	_ =	shalt  }
0x7d: {  	_ =	shalt  }
0x7e: {  	_ =	shalt  }
0x7f: {  	_ =	shalt  }
0x80: {  	_ =	shalt  }
0x81: {  	_ =	shalt  }
0x82: {  	_ =	shalt  }
0x83: {  	_ =	shalt  }
0x84: {  	_ =	shalt  }
0x85: {  	_ =	shalt  }
0x86: {  	_ =	shalt  }
0x87: {  	_ =	shalt  }
.Lfunc_end0:
.L_simem_size_0:
called_computation.1_lowered:
.L_overlay_start_0:
0x88: {  	s2 =	sld [smem:$0x3FD9]  }
0x89: {  	s3 =	sld [smem:$0x3FFE];
	_ =	sdelay $0x1  }
0x8a: {  	s1 =	srdreg.scid  }
0x8b: {  	s0 =	sand.u32 $0x1, s1  }
0x8c: {  	s17 =	sshll.u32 s0, $0xA;
	s2 =	sadd.s32 s3, s2  }
0x8d: {  	s2 =	sadd.s32 s2, s17  }
0x8e: {  	[smem:$0x3FB1] =	sst s2  }
0x8f: {  	_ = 	snop  }
0x90: {  	s2 =	sld [smem:$0x3FD0];
	(tm) =	ssettm $0x1  }
0x91: {  	s18 =	sld [smem:$0x3FFB];
	_ =	sdelay $0x3  }
0x92: {  	_ =	strace s18  }
0x93: {  	s3 =	sld [smem:$0x3FFC];
	_ =	sdelay $0x3  }
0x94: {  	_ =	strace s3  }
0x95: {  	s3 =	sld [smem:$0x3FFD];
	_ =	sdelay $0x3  }
0x96: {  	_ =	strace s3  }
0x97: {  	_ =	strace $0x8FFFFFFF  }
0x98: {  	s19 =	sld [smem:$0x3FDB];
	_ =	sdelay $0x1  }
0x99: {  	s4 =	simm.s32 $_scs_section_size  }
0x9a: {  	s5 =	simm.s32 $_size__tile_overlayer_lowered;
	s6 =	simm.s32 $_tile_overlayer_lowered  }
0x9b: {  	s22 =	simm.s32 $0x1BFF;
	s21 =	sshll.u32 s6, $0x1;
	s3 =	sadd.s32 s4, s19  }
0x9c: {  	s7 =	simm.s32 $0x0;
	s20 =	sshll.u32 s5, $0x1;
	s5 =	sadd.s32 s21, s3  }
0x9d: {  	[timem:s7], [sflag:s22] =	dma.local [hbm:s5], s20  }
0x9e: {  	_ =	swait.ge [sflag:s22], s20  }
0x9f: {  	s4 =	ssub.s32 $0x0, s20;
	[sflag:s22] =	ssyncset.done $0x0  }
0xa0: {  	[sflag:s22] =	ssyncadd.s32 s4;
	_ =	sdelay $0x1  }
0xa1: {  	s23 =	simm.s32 $0x1B8B  }
0xa2: {  	_ =	swait.ge [sflag:s23], $0x1  }
0xa3: {  	[sflag:s23] =	ssyncset.done $0x0  }
0xa4: {  	s25 =	simm.s32 $0x1B8E;
	s24 =	sld [smem:$0x3FFE];
	[sflag:s23] =	ssyncadd.s32 $0xFFFFFFFF  }
0xa5: {  	s26 =	simm.s32 $execute0_lowered;
	[smem:$0x3FD2] =	sst s25  }
0xa6: {  	s5 =	sshll.u32 s26, $0x1;
	_ =	strace $0x80000049;
	[dreg:$0x1] =	wrdreg $0xFFFFFFFF  }
0xa7: {  	s28 =	simm.s32 $_size_execute0_lowered;
	s3 =	sadd.s32 s3, s5;
	[dreg:$0x0] =	wrdreg $0x0  }
0xa8: {  	s5 =	sshll.u32 s28, $0x1;
	[dreg:$0x2] =	wrdreg s3  }
0xa9: {  	[dreg:$0x3] =	wrdreg s5  }
0xaa: {  	[dreg:$0x4] =	wrdreg $0xC0  }
0xab: {  	_ =	task [dreg:s7], $0x5FFFF  }
0xac: {  	[dreg:$0x1] =	wrdreg $0xFFFFFFFF  }
0xad: {  	[dreg:$0x0] =	wrdreg $0x60  }
0xae: {  	[dreg:$0x2] =	wrdreg s24  }
0xaf: {  	[dreg:$0x3] =	wrdreg s2  }
0xb0: {  	[dreg:$0x4] =	wrdreg $0x0  }
0xb1: {  	[dreg:$0x5] =	wrdreg $0x9  }
0xb2: {  	_ =	task.clear_ibuf [dreg:s7], $0x6FFFF;
	_ =	strace $0x90000049  }
0xb3: {  	s29 =	simm.s32 $0x9;
	_ =	strace $0x8000004B  }
0xb4: {  	_ =	swait.ge [sflag:s29], $0x1  }
0xb5: {  	[sflag:s29] =	ssyncadd.s32 $0xFFFFFFFF  }
0xb6: {  	_ =	strace $0x9000004B  }
0xb7: {  	_ =	sfence  }
0xb8: {  	s30 =	sld [smem:$0x0];
	_ =	sdelay $0x2  }
0xb9: {  	s31 =	sshll.u32 s1, $0xD;
	s1 =	sshrl.u32 s1, $0x2  }
0xba: {  	s3 =	sand.u32 $0x4000, s31;
	s1 =	sadd.s32 s1, s30  }
0xbb: {  	s0 =	sor.u32 s3, s0;
	s1 =	sshll.u32 s1, $0x11  }
0xbc: {  	s0 =	sor.u32 s1, s0  }
0xbd: {  	s0 =	sadd.s32 $0x8F2B, s0  }
0xbe: {  	[sflag:s0] =	ssyncadd.remote.s32 $0x1  }
0xbf: {  	_ =	sfence.sel $0xFFFF  }
0xc0: {  	[dreg:$0x0] =	wrdreg $0xFFFFFFFF;
	(pc) =	sbr.abs _section_cstart, $3  }
0xc1: {  	[dreg:$0x1] =	wrdreg $0xFFFFFFFF  }
0xc2: {  	_ =	task.clear_ibuf [dreg:s7], $0x2FFFF;
	_ =	strace $0x9FFFFFFF  }
0xc3: {  	(tm) =	ssettm $0x7FFFFFFF  }
tec
execute0_lowered:
.L_overlay_start_1:
0x0: {  	(tag) =	ssettag $0x1  }
0x1: {  	s9 =	rddreg [dreg:$0x0]  }
0x2: {  	s1 =	rddreg [dreg:$0x1]  }
0x3: {  	s3 =	rddreg [dreg:$0x2]  }
0x4: {  	s0 =	rddreg [dreg:$0x3]  }
0x5: {  	s4 =	simm.s32 $0x0;
	s5 =	srdreg.scid;
	s2 =	stileid.u32  }
0x6: {  	s18 =	simm.s32 $0x14100;
	s19 =	simm.s32 $0x80;
	s20 =	simm.s32 $0x14900  }
0x7: {  	[smem:$0x7FF] =	sst s4;
	s10 =	sand.u32 $0x1, s5;
	s11 =	smul.u32 $0x4E000, s2  }
0x8: {  	s5 =	sadd.s32 $0xEA00, s9;
	s6 =	sadd.s32 $0x4A00, s9;
	s8 =	smul.u32 $0x5000, s2  }
0x9: {  	s7 =	sadd.s32 $0x5CC00, s9;
	s13 =	sadd.s32 $0x5F600, s9;
	s15 =	smul.u32 $0x13800, s2  }
0xa: {  	s17 =	sadd.s32 $0x124800, s3;
	s12 =	smul.u32 $0x50000, s10;
	s29 =	ssub.s32 $0x2, s10  }
0xb: {  	p0 =	seq.s32 s2, $0xF;
	s10 =	smul.u32 $0x138800, s10;
	s14 =	sshrl.u32 s29, $0x1  }
0xc: {  	_ =	strace $0x8000004A;
	s11 =	sshrl.u32 s11, $0x2;
	s14 =	ssub.s32 s29, s14  }
0xd: {  	s16 =	sadd.s32 s11, s3;
	s9 =	sadd.s32 s12, s8;
	s30 =	sadd.s32 s15, s10  }
0xe: {  	s10 =	sshrl.u32 s10, $0x3;
	s15 =	sshll.u32 @!p0 s2, $0x6;
	s11 =	sshrl.u32 s30, $0x3  }
0xf: {  	s31 =	sadd.s32 s13, s10;
	s12 =	smax.u32 s14, $0x1;
	s14 =	sor.u32 @!p0 $0x1C01, s15  }
0x10: {  	s15 =	sshrl.u32 @!p0 s16, $0x3;
	s16 =	simm.s32 $0x13900;
	s10 =	sadd.s32 s13, s11  }
0x11: {  	s11 =	sadd.s32 $0x24900, s31;
	s13 =	sshrl.u32 @p0 s17, $0x3;
	s17 =	simm.s32 $0x1  }
.LBB2_1:
0x12: {  	s21 =	simm.s32 @p0 $0x1FC1  }
0x13: {  	[spmem:s13], [sflag:s21] =	dma.local @p0 [hbm:s7], $0x2900  }
0x14: {  	s21 =	simm.s32 @p0 $0x1  }
0x15: {  	_ =	swait.ge @p0 [sflag:s21], $0x2900  }
0x16: {  	[sflag:s21] =	ssyncset.done @p0 $0x0  }
0x17: {  	[sflag:s21] =	ssyncadd.s32 @p0 $0xFFFFD700;
	s21 =	simm.s32 @!p0 $0x1  }
0x18: {  	[spmem:s15], [sflag:s14] =	dma.local @!p0 [hbm:s7], $0x2700  }
0x19: {  	_ =	swait.ge @!p0 [sflag:s21], $0x2700  }
0x1a: {  	[sflag:s21] =	ssyncset.done @!p0 $0x0  }
0x1b: {  	[sflag:s21] =	ssyncadd.s32 @!p0 $0xFFFFD900  }
0x1c: {  	s21 =	simm.s32 $0x0;
	[bflag:$0x0] =	sbarrier.arrive $0xFFFF  }
.LBB2_2:
0x1d: {  	s22 =	sshll.u32 s21, $0xB  }
0x1e: {  	s23 =	sadd.s32 s9, s22  }
0x1f: {  	s23 =	sshrl.u32 s23, $0x3  }
0x20: {  	s24 =	simm.s32 $0x0;
	s23 =	sadd.s32 s1, s23  }
0x21: {  	[tilespmem:s16], [sflag:$0x1] =	stream.linear.gather [hbm4b:s23+s24], $0x800, $0x38;
	[tilespmem:$0x18900] =	vst v63  }
0x22: {  	s22 =	sadd.s32 s8, s22;
	_ =	swait.ge [sflag:s17], $0x800  }
0x23: {  	s22 =	sshrl.u32 s22, $0x3;
	[sflag:s17] =	ssyncset.done $0x0  }
0x24: {  	s22 =	sadd.s32 s6, s22;
	[sflag:s17] =	ssyncadd.s32 $0xFFFFF800  }
0x25: {  	[tilespmem:s18], [sflag:$0x1] =	stream.linear.gather [hbm4b:s22+s24], $0x800, $0x38;
	[tilespmem:$0x18900] =	vst v63  }
0x26: {  	_ =	swait.ge [sflag:s17], $0x800  }
0x27: {  	[sflag:s17] =	ssyncset.done $0x0  }
0x28: {  	s30 =	simm.s32 $0x13900;
	[sflag:s17] =	ssyncadd.s32 $0xFFFFF800  }
0x29: {  	[tilespmem:s20], [sflag:$0x1] =	stream.indirect.gather [hbm4b:s5+s19], $0x80, s30, s19, $0xb8;
	[tilespmem:$0x18900] =	vst v63  }
0x2a: {  	_ =	swait.ge [sflag:s17], $0x4000  }
0x2b: {  	[sflag:s17] =	ssyncset.done $0x0  }
0x2c: {  	s31 =	simm.s32 $0x14100;
	[sflag:s17] =	ssyncadd.s32 $0xFFFFC000  }
0x2d: {  	[spmem:s3] =	stream.indirect.scatter.add.f32 [tilespmem:s20], [sflag:$0x1], $0x80, s31, s19, $0xb8;
	[tilespmem:$0x18900] =	vst v63  }
0x2e: {  	_ =	swait.ge [sflag:s17], $0x4000  }
0x2f: {  	s23 =	simm.s32 $0x400;
	s22 =	simm.s32 $0x80;
	[sflag:s17] =	ssyncset.done $0x0  }
.LBB2_3:
0x30: {  	s24 =	sadd.s32 $0x13900, s22  }
0x31: {  	[sflag:s17] =	ssyncadd.s32 $0xFFFFC000;
	s25 =	smov.u32 s23;
	s26 =	sadd.s32 $0x200, s23  }
0x32: {  	[tilespmem:s20], [sflag:$0x1] =	stream.indirect.gather [hbm4b:s5+s19], $0x80, s24, s19, $0xb8;
	[tilespmem:$0x18900] =	vst v63  }
0x33: {  	p1 =	sne.s32 s23, $0x1E00;
	_ =	swait.ge [sflag:s17], $0x4000  }
.Ltmp0:
0x34: {  	[sflag:s17] =	ssyncset.done $0x0;
	(pc) =	sbr.rel @p1 .LBB2_3-.Ltmp0, $4  }
0x35: {  	s22 =	sadd.s32 $0x14100, s22;
	[sflag:s17] =	ssyncadd.s32 $0xFFFFC000  }
0x36: {  	[spmem:s3] =	stream.indirect.scatter.add.f32 [tilespmem:s20], [sflag:$0x1], $0x80, s22, s19, $0xb8;
	[tilespmem:$0x18900] =	vst v63  }
0x37: {  	_ =	swait.ge [sflag:s17], $0x4000  }
0x38: {  	s23 =	smov.u32 s26;
	s22 =	sshra.s32 s25, $0x2;
	[sflag:s17] =	ssyncset.done $0x0  }
0x39: {  	s23 =	sadd.s32 $0x13900, s22;
	[sflag:s17] =	ssyncadd.s32 $0xFFFFC000  }
0x3a: {  	[tilespmem:s20], [sflag:$0x1] =	stream.indirect.gather [hbm4b:s5+s19], $0x80, s23, s19, $0xb8;
	[tilespmem:$0x18900] =	vst v63  }
0x3b: {  	s21 =	sadd.s32 $0x1, s21;
	_ =	swait.ge [sflag:s17], $0x4000  }
0x3c: {  	p1 =	sne.s32 s21, $0xA;
	[sflag:s17] =	ssyncset.done $0x0  }
.Ltmp1:
0x3d: {  	s31 =	sadd.s32 $0x14100, s22;
	[sflag:s17] =	ssyncadd.s32 $0xFFFFC000;
	(pc) =	sbr.rel @p1 .LBB2_2-.Ltmp1, $4  }
0x3e: {  	[spmem:s3] =	stream.indirect.scatter.add.f32 [tilespmem:s20], [sflag:$0x1], $0x80, s31, s19, $0xb8;
	[tilespmem:$0x18900] =	vst v63  }
0x3f: {  	_ =	swait.ge [sflag:s17], $0x4000  }
0x40: {  	[sflag:s17] =	ssyncset.done $0x0  }
0x41: {  	[sflag:s17] =	ssyncadd.s32 $0xFFFFC000  }
0x42: {  	[bflag:$0x0] =	sbarrier.arrive $0xFFFF;
	s21 =	simm.s32 @p0 $0x1FC1  }
0x43: {  	[hbm:s11], [sflag:s21] =	dma.local @p0 [spmem:s13], $0x2800  }
0x44: {  	s21 =	simm.s32 @p0 $0x1  }
0x45: {  	s4 =	sadd.s32 $0x1, s4;
	_ =	swait.ge @p0 [sflag:s21], $0x2800  }
0x46: {  	p1 =	sne.s32 s4, s12;
	[sflag:s21] =	ssyncset.done @p0 $0x0  }
.Ltmp2:
0x47: {  	[sflag:s21] =	ssyncadd.s32 @p0 $0xFFFFD800;
	s21 =	simm.s32 @!p0 $0x1;
	(pc) =	sbr.rel @p1 .LBB2_1-.Ltmp2, $4  }
0x48: {  	[hbm:s10], [sflag:s14] =	dma.local @!p0 [spmem:s15], $0x2700  }
0x49: {  	_ =	swait.ge @!p0 [sflag:s21], $0x2700  }
0x4a: {  	[sflag:s21] =	ssyncset.done @!p0 $0x0  }
0x4b: {  	[sflag:s21] =	ssyncadd.s32 @!p0 $0xFFFFD900  }
0x4c: {  	_ =	sfence.sel $0x180000  }
0x4d: {  	[bflag:$0x0] =	sbarrier.arrive $0xFFFF  }
0x4e: {  	p0 =	sne.s32 s2, $0x0;
	_ =	strace $0x9000004A  }
0x4f: {  	s0 =	sadd.s32 @!p0 $0x100000, s0;
	[bflag:$0x2] =	sbarrier.arrive $0xFFFF  }
0x50: {  	[sflag:s0] =	ssyncadd.tile.s32 @!p0 $0x1;
	_ =	shalt  }
.Lfunc_end2:
_tile_overlayer_lowered:
.L_overlay_start_2:
0x51: {  	(tag) =	ssettag $0x2  }
0x52: {  	s0 =	rddreg [dreg:$0x0];
	s2 =	stileid.u32  }
0x53: {  	s1 =	rddreg [dreg:$0x1];
	p0 =	sne.s32 s2, $0x0  }
0x54: {  	s3 =	rddreg [dreg:$0x2];
	[bflag:$0x3] =	sbarrier.arrive $0xFFFF;
	s2 =	simm.s32 @!p0 $0x1C01  }
0x55: {  	[timem:s3], [sflag:s2] =	dma.local @!p0 [hbm:s0], s1  }
0x56: {  	s0 =	simm.s32 @!p0 $0x1  }
0x57: {  	_ =	swait.ge @!p0 [sflag:s0], s1  }
0x58: {  	s1 =	ssub.s32 @!p0 $0x0, s1;
	[sflag:s0] =	ssyncset.done @!p0 $0x0  }
0x59: {  	[sflag:s0] =	ssyncadd.s32 @!p0 s1  }
0x5a: {  	[bflag:$0x3] =	sbarrier.arrive $0xFFFF  }
0x5b: {  	_ =	shalt  }

// kernel: kernel.18.cloned.1.call-start
scs
__scs_entry_jumppad:
0x0: {  	(pc) =	sbr.rel $0x88, $3  }
0x1: {  	(tag) =	ssettag $0x0;
	lr =	simm.s32 $0x1  }
0x2: {  	[smem:$0x3F8A] =	sst lr;
	_ =	strace $0xD0000000  }
0x3: {  	_ = 	snop  }
0x4: {  	_ = 	snop  }
0x5: {  	_ = 	snop  }
0x6: {  	_ = 	snop  }
0x7: {  	_ = 	snop  }
__scs_overlays_trampoline_lowered:
0x8: {  	[smem:$0x3F99] =	sst s0  }
0x9: {  	[smem:$0x3F9A] =	sst s1  }
0xa: {  	[smem:$0x3F9B] =	sst s2  }
0xb: {  	[smem:$0x3F9C] =	sst s3  }
0xc: {  	[smem:$0x3F9D] =	sst s4  }
0xd: {  	[smem:$0x3F9E] =	sst s5  }
0xe: {  	[smem:$0x3F9F] =	sst s6  }
0xf: {  	[smem:$0x3FA0] =	sst s7  }
0x10: {  	[smem:$0x3FA1] =	sst s8  }
0x11: {  	[smem:$0x3FA2] =	sst s9;
	s0 =	simm.s32 @!p0 $0x0  }
0x12: {  	s1 =	sld [smem:$0x3F88];
	s0 =	simm.s32 @p0 $0x1  }
0x13: {  	[smem:$0x3FA3] =	sst s0;
	s0 =	simm.s32 @!p1 $0x0  }
0x14: {  	s2 =	sld [smem:$0x3F87];
	s0 =	simm.s32 @p1 $0x1  }
0x15: {  	[smem:$0x3FA4] =	sst s0;
	s0 =	simm.s32 @!p2 $0x0  }
0x16: {  	s3 =	sld [smem:$0x3FDB];
	s0 =	simm.s32 @p2 $0x1  }
0x17: {  	s4 =	simm.s32 $0x1BF5;
	[smem:$0x3FA6] =	sst s0  }
0x18: {  	s0 =	sld [smem:$0x3F89];
	_ =	swait.ge [sflag:s4], $0x0  }
0x19: {  	s7 =	sld [smem:$0x3F8A]  }
0x1a: {  	s8 =	sadd.s32 $0xFFFFE003, lr  }
0x1b: {  	s9 =	sadd.s32 $0xFFFFFEF7, lr;
	s5 =	simm.s32 $0xFFFFFFFF;
	p2 =	slt.u32 s8, $0xFFFFF086  }
0x1c: {  	p1 =	slt.u32 s9, $0xF7A;
	s5 =	simm.s32 @!p2 $0x0  }
0x1d: {  	s5 =	simm.s32 @p1 $0x1;
	p0 =	seq.s32 s7, s2  }
0x1e: {  	s7 =	smul.u32 @!p0 $0xF7A, s2;
	p2 =	seq.s32 @!p0 s5, $0x0  }
0x1f: {  	s9 =	smul.u32 $0xF7A, s1;
	s8 =	simm.s32 @!p0 $0x1BF5;
	p2 =	por !p2, p0  }
0x20: {  	[sflag:s8] =	ssyncset.s32 @!p0 $0xFFFFF086;
	s6 =	sadd.s32 @!p0 s3, s7;
	s7 =	simm.s32 @!p0 $0x108  }
0x21: {  	s3 =	sadd.s32 s3, s9;
	s6 =	sadd.s32 @!p0 $0x88, s6;
	s7 =	simm.s32 @p2 $0x1082  }
0x22: {  	[simem:s7], [sflag:s8] =	dma.local @!p0 [hbm:s6], $0xF7A  }
0x23: {  	s9 =	sor.u32 $0xD0000000, s2;
	s6 =	simm.s32 $0x108;
	_ =	swait.ge @!p0 [sflag:s8], $0x0  }
0x24: {  	s3 =	sadd.s32 $0x88, s3;
	s6 =	simm.s32 @!p1 $0x1082;
	[sflag:s4] =	ssyncset.s32 $0xFFFFF086  }
0x25: {  	[simem:s6], [sflag:s4] =	dma.local [hbm:s3], $0xF7A  }
0x26: {  	[smem:$0x3F8A] =	sst s1;
	(tag) =	ssettag s2;
	_ =	strace s9  }
0x27: {  	s1 =	sld [smem:$0x3F9A]  }
0x28: {  	s2 =	sld [smem:$0x3F9B]  }
0x29: {  	s4 =	sld [smem:$0x3F9D]  }
0x2a: {  	p0 =	seq.s32 s5, $0x0;
	s5 =	sld [smem:$0x3F9E]  }
0x2b: {  	s6 =	sld [smem:$0x3F9F]  }
0x2c: {  	s7 =	sld [smem:$0x3FA0]  }
0x2d: {  	s3 =	simm.s32 $0x108;
	s8 =	sld [smem:$0x3FA1]  }
0x2e: {  	s3 =	simm.s32 @!p0 $0x1082;
	s9 =	sld [smem:$0x3FA2]  }
0x2f: {  	lr =	sadd.s32 s0, s3;
	s0 =	sld [smem:$0x3F99]  }
0x30: {  	s3 =	sld [smem:$0x3F9C]  }
0x31: {  	[smem:$0x3FA5] =	sst s10  }
0x32: {  	s10 =	sld [smem:$0x3FA3];
	_ =	sdelay $0x3  }
0x33: {  	p0 =	seq.s32 s10, $0x1;
	s10 =	sld [smem:$0x3FA5];
	_ =	sdelay $0x3  }
0x34: {  	[smem:$0x3FA5] =	sst s10  }
0x35: {  	s10 =	sld [smem:$0x3FA4];
	_ =	sdelay $0x3  }
0x36: {  	p1 =	seq.s32 s10, $0x1;
	s10 =	sld [smem:$0x3FA5];
	_ =	sdelay $0x3  }
0x37: {  	[smem:$0x3FA5] =	sst s10  }
0x38: {  	s10 =	sld [smem:$0x3FA6]  }
0x39: {  	_ = 	snop;
	(pc) =	sbr.ind lr, $3  }
0x3a: {  	_ = 	snop  }
0x3b: {  	_ = 	snop  }
0x3c: {  	p2 =	seq.s32 s10, $0x1;
	s10 =	sld [smem:$0x3FA5]  }
0x3d: {  	_ =	shalt  }
0x3e: {  	_ =	shalt  }
0x3f: {  	_ =	shalt  }
0x40: {  	_ =	shalt  }
0x41: {  	_ =	shalt  }
0x42: {  	_ =	shalt  }
0x43: {  	_ =	shalt  }
0x44: {  	_ =	shalt  }
0x45: {  	_ =	shalt  }
0x46: {  	_ =	shalt  }
0x47: {  	_ =	shalt  }
0x48: {  	_ =	shalt  }
0x49: {  	_ =	shalt  }
0x4a: {  	_ =	shalt  }
0x4b: {  	_ =	shalt  }
0x4c: {  	_ =	shalt  }
0x4d: {  	_ =	shalt  }
0x4e: {  	_ =	shalt  }
0x4f: {  	_ =	shalt  }
0x50: {  	_ =	shalt  }
0x51: {  	_ =	shalt  }
0x52: {  	_ =	shalt  }
0x53: {  	_ =	shalt  }
0x54: {  	_ =	shalt  }
0x55: {  	_ =	shalt  }
0x56: {  	_ =	shalt  }
0x57: {  	_ =	shalt  }
0x58: {  	_ =	shalt  }
0x59: {  	_ =	shalt  }
0x5a: {  	_ =	shalt  }
0x5b: {  	_ =	shalt  }
0x5c: {  	_ =	shalt  }
0x5d: {  	_ =	shalt  }
0x5e: {  	_ =	shalt  }
0x5f: {  	_ =	shalt  }
0x60: {  	_ =	shalt  }
0x61: {  	_ =	shalt  }
0x62: {  	_ =	shalt  }
0x63: {  	_ =	shalt  }
0x64: {  	_ =	shalt  }
0x65: {  	_ =	shalt  }
0x66: {  	_ =	shalt  }
0x67: {  	_ =	shalt  }
0x68: {  	_ =	shalt  }
0x69: {  	_ =	shalt  }
0x6a: {  	_ =	shalt  }
0x6b: {  	_ =	shalt  }
0x6c: {  	_ =	shalt  }
0x6d: {  	_ =	shalt  }
0x6e: {  	_ =	shalt  }
0x6f: {  	_ =	shalt  }
0x70: {  	_ =	shalt  }
0x71: {  	_ =	shalt  }
0x72: {  	_ =	shalt  }
0x73: {  	_ =	shalt  }
0x74: {  	_ =	shalt  }
0x75: {  	_ =	shalt  }
0x76: {  	_ =	shalt  }
0x77: {  	_ =	shalt  }
0x78: {  	_ =	shalt  }
0x79: {  	_ =	shalt  }
0x7a: {  	_ =	shalt  }
0x7b: {  	_ =	shalt  }
0x7c: {  	_ =	shalt  }
0x7d: {  	_ =	shalt  }
0x7e: {  	_ =	shalt  }
0x7f: {  	_ =	shalt  }
0x80: {  	_ =	shalt  }
0x81: {  	_ =	shalt  }
0x82: {  	_ =	shalt  }
0x83: {  	_ =	shalt  }
0x84: {  	_ =	shalt  }
0x85: {  	_ =	shalt  }
0x86: {  	_ =	shalt  }
0x87: {  	_ =	shalt  }
.Lfunc_end0:
.L_simem_size_0:
called_computation.2_lowered:
.L_overlay_start_0:
0x88: {  	s2 =	sld [smem:$0x3FD9]  }
0x89: {  	s3 =	sld [smem:$0x3FFE];
	_ =	sdelay $0x1  }
0x8a: {  	s1 =	srdreg.scid  }
0x8b: {  	s0 =	sand.u32 $0x1, s1  }
0x8c: {  	s17 =	sshll.u32 s0, $0xA;
	s2 =	sadd.s32 s3, s2  }
0x8d: {  	s2 =	sadd.s32 s2, s17  }
0x8e: {  	[smem:$0x3FB1] =	sst s2  }
0x8f: {  	_ = 	snop  }
0x90: {  	s2 =	sld [smem:$0x3FD0];
	(tm) =	ssettm $0x1  }
0x91: {  	s18 =	sld [smem:$0x3FFB];
	_ =	sdelay $0x3  }
0x92: {  	_ =	strace s18  }
0x93: {  	s3 =	sld [smem:$0x3FFC];
	_ =	sdelay $0x3  }
0x94: {  	_ =	strace s3  }
0x95: {  	s3 =	sld [smem:$0x3FFD];
	_ =	sdelay $0x3  }
0x96: {  	_ =	strace s3  }
0x97: {  	_ =	strace $0x8FFFFFFF  }
0x98: {  	s19 =	sld [smem:$0x3FDB];
	_ =	sdelay $0x1  }
0x99: {  	s4 =	simm.s32 $_scs_section_size  }
0x9a: {  	s5 =	simm.s32 $_size__tile_overlayer_lowered;
	s6 =	simm.s32 $_tile_overlayer_lowered  }
0x9b: {  	s22 =	simm.s32 $0x1BFF;
	s21 =	sshll.u32 s6, $0x1;
	s3 =	sadd.s32 s4, s19  }
0x9c: {  	s7 =	simm.s32 $0x0;
	s20 =	sshll.u32 s5, $0x1;
	s5 =	sadd.s32 s21, s3  }
0x9d: {  	[timem:s7], [sflag:s22] =	dma.local [hbm:s5], s20  }
0x9e: {  	_ =	swait.ge [sflag:s22], s20  }
0x9f: {  	s4 =	ssub.s32 $0x0, s20;
	[sflag:s22] =	ssyncset.done $0x0  }
0xa0: {  	[sflag:s22] =	ssyncadd.s32 s4;
	_ =	sdelay $0x1  }
0xa1: {  	s23 =	simm.s32 $0x1B8B  }
0xa2: {  	_ =	swait.ge [sflag:s23], $0x1  }
0xa3: {  	[sflag:s23] =	ssyncset.done $0x0  }
0xa4: {  	s25 =	simm.s32 $0x1B8E;
	s24 =	sld [smem:$0x3FFE];
	[sflag:s23] =	ssyncadd.s32 $0xFFFFFFFF  }
0xa5: {  	s26 =	simm.s32 $execute0_lowered;
	[smem:$0x3FD2] =	sst s25  }
0xa6: {  	s5 =	sshll.u32 s26, $0x1;
	_ =	strace $0x8000004C;
	[dreg:$0x1] =	wrdreg $0xFFFFFFFF  }
0xa7: {  	s28 =	simm.s32 $_size_execute0_lowered;
	s3 =	sadd.s32 s3, s5;
	[dreg:$0x0] =	wrdreg $0x0  }
0xa8: {  	s5 =	sshll.u32 s28, $0x1;
	[dreg:$0x2] =	wrdreg s3  }
0xa9: {  	[dreg:$0x3] =	wrdreg s5  }
0xaa: {  	[dreg:$0x4] =	wrdreg $0xC0  }
0xab: {  	_ =	task [dreg:s7], $0x5FFFF  }
0xac: {  	[dreg:$0x1] =	wrdreg $0xFFFFFFFF  }
0xad: {  	[dreg:$0x0] =	wrdreg $0x60  }
0xae: {  	[dreg:$0x2] =	wrdreg s24  }
0xaf: {  	[dreg:$0x3] =	wrdreg s2  }
0xb0: {  	[dreg:$0x4] =	wrdreg $0x0  }
0xb1: {  	[dreg:$0x5] =	wrdreg $0x9  }
0xb2: {  	_ =	task.clear_ibuf [dreg:s7], $0x6FFFF;
	_ =	strace $0x9000004C  }
0xb3: {  	s29 =	simm.s32 $0x9;
	_ =	strace $0x8000004E  }
0xb4: {  	_ =	swait.ge [sflag:s29], $0x1  }
0xb5: {  	[sflag:s29] =	ssyncadd.s32 $0xFFFFFFFF  }
0xb6: {  	_ =	strace $0x9000004E  }
0xb7: {  	_ =	sfence  }
0xb8: {  	s30 =	sld [smem:$0x0];
	_ =	sdelay $0x2  }
0xb9: {  	s31 =	sshll.u32 s1, $0xD;
	s1 =	sshrl.u32 s1, $0x2  }
0xba: {  	s3 =	sand.u32 $0x4000, s31;
	s1 =	sadd.s32 s1, s30  }
0xbb: {  	s0 =	sor.u32 s3, s0;
	s1 =	sshll.u32 s1, $0x11  }
0xbc: {  	s0 =	sor.u32 s1, s0  }
0xbd: {  	s0 =	sadd.s32 $0x8F2B, s0  }
0xbe: {  	[sflag:s0] =	ssyncadd.remote.s32 $0x1  }
0xbf: {  	_ =	sfence.sel $0xFFFF  }
0xc0: {  	[dreg:$0x0] =	wrdreg $0xFFFFFFFF;
	(pc) =	sbr.abs _section_cstart, $3  }
0xc1: {  	[dreg:$0x1] =	wrdreg $0xFFFFFFFF  }
0xc2: {  	_ =	task.clear_ibuf [dreg:s7], $0x2FFFF;
	_ =	strace $0x9FFFFFFF  }
0xc3: {  	(tm) =	ssettm $0x7FFFFFFF  }
tec
execute0_lowered:
.L_overlay_start_1:
0x0: {  	(tag) =	ssettag $0x1  }
0x1: {  	s9 =	rddreg [dreg:$0x0]  }
0x2: {  	s1 =	rddreg [dreg:$0x1]  }
0x3: {  	s3 =	rddreg [dreg:$0x2]  }
0x4: {  	s0 =	rddreg [dreg:$0x3]  }
0x5: {  	s4 =	simm.s32 $0x0;
	s5 =	srdreg.scid;
	s2 =	stileid.u32  }
0x6: {  	s18 =	simm.s32 $0x14100;
	s19 =	simm.s32 $0x80;
	s20 =	simm.s32 $0x14900  }
0x7: {  	[smem:$0x7FF] =	sst s4;
	s10 =	sand.u32 $0x1, s5;
	s11 =	smul.u32 $0x4E000, s2  }
0x8: {  	s5 =	sadd.s32 $0xEA00, s9;
	s6 =	sadd.s32 $0x4A00, s9;
	s8 =	smul.u32 $0x5000, s2  }
0x9: {  	s7 =	sadd.s32 $0x5CC00, s9;
	s13 =	sadd.s32 $0x5F600, s9;
	s15 =	smul.u32 $0x13800, s2  }
0xa: {  	s17 =	sadd.s32 $0x124800, s3;
	s12 =	smul.u32 $0x50000, s10;
	s29 =	ssub.s32 $0x2, s10  }
0xb: {  	p0 =	seq.s32 s2, $0xF;
	s10 =	smul.u32 $0x138800, s10;
	s14 =	sshrl.u32 s29, $0x1  }
0xc: {  	_ =	strace $0x8000004D;
	s11 =	sshrl.u32 s11, $0x2;
	s14 =	ssub.s32 s29, s14  }
0xd: {  	s16 =	sadd.s32 s11, s3;
	s9 =	sadd.s32 s12, s8;
	s30 =	sadd.s32 s15, s10  }
0xe: {  	s10 =	sshrl.u32 s10, $0x3;
	s15 =	sshll.u32 @!p0 s2, $0x6;
	s11 =	sshrl.u32 s30, $0x3  }
0xf: {  	s31 =	sadd.s32 s13, s10;
	s12 =	smax.u32 s14, $0x1;
	s14 =	sor.u32 @!p0 $0x1C01, s15  }
0x10: {  	s15 =	sshrl.u32 @!p0 s16, $0x3;
	s16 =	simm.s32 $0x13900;
	s10 =	sadd.s32 s13, s11  }
0x11: {  	s11 =	sadd.s32 $0x24900, s31;
	s13 =	sshrl.u32 @p0 s17, $0x3;
	s17 =	simm.s32 $0x1  }
.LBB2_1:
0x12: {  	s21 =	simm.s32 @p0 $0x1FC1  }
0x13: {  	[spmem:s13], [sflag:s21] =	dma.local @p0 [hbm:s7], $0x2900  }
0x14: {  	s21 =	simm.s32 @p0 $0x1  }
0x15: {  	_ =	swait.ge @p0 [sflag:s21], $0x2900  }
0x16: {  	[sflag:s21] =	ssyncset.done @p0 $0x0  }
0x17: {  	[sflag:s21] =	ssyncadd.s32 @p0 $0xFFFFD700;
	s21 =	simm.s32 @!p0 $0x1  }
0x18: {  	[spmem:s15], [sflag:s14] =	dma.local @!p0 [hbm:s7], $0x2700  }
0x19: {  	_ =	swait.ge @!p0 [sflag:s21], $0x2700  }
0x1a: {  	[sflag:s21] =	ssyncset.done @!p0 $0x0  }
0x1b: {  	[sflag:s21] =	ssyncadd.s32 @!p0 $0xFFFFD900  }
0x1c: {  	s21 =	simm.s32 $0x0;
	[bflag:$0x0] =	sbarrier.arrive $0xFFFF  }
.LBB2_2:
0x1d: {  	s22 =	sshll.u32 s21, $0xB  }
0x1e: {  	s23 =	sadd.s32 s9, s22  }
0x1f: {  	s23 =	sshrl.u32 s23, $0x3  }
0x20: {  	s24 =	simm.s32 $0x0;
	s23 =	sadd.s32 s1, s23  }
0x21: {  	[tilespmem:s16], [sflag:$0x1] =	stream.linear.gather [hbm4b:s23+s24], $0x800, $0x38;
	[tilespmem:$0x18900] =	vst v63  }
0x22: {  	s22 =	sadd.s32 s8, s22;
	_ =	swait.ge [sflag:s17], $0x800  }
0x23: {  	s22 =	sshrl.u32 s22, $0x3;
	[sflag:s17] =	ssyncset.done $0x0  }
0x24: {  	s22 =	sadd.s32 s6, s22;
	[sflag:s17] =	ssyncadd.s32 $0xFFFFF800  }
0x25: {  	[tilespmem:s18], [sflag:$0x1] =	stream.linear.gather [hbm4b:s22+s24], $0x800, $0x38;
	[tilespmem:$0x18900] =	vst v63  }
0x26: {  	_ =	swait.ge [sflag:s17], $0x800  }
0x27: {  	[sflag:s17] =	ssyncset.done $0x0  }
0x28: {  	s30 =	simm.s32 $0x13900;
	[sflag:s17] =	ssyncadd.s32 $0xFFFFF800  }
0x29: {  	[tilespmem:s20], [sflag:$0x1] =	stream.indirect.gather [hbm4b:s5+s19], $0x80, s30, s19, $0xb8;
	[tilespmem:$0x18900] =	vst v63  }
0x2a: {  	_ =	swait.ge [sflag:s17], $0x4000  }
0x2b: {  	[sflag:s17] =	ssyncset.done $0x0  }
0x2c: {  	s31 =	simm.s32 $0x14100;
	[sflag:s17] =	ssyncadd.s32 $0xFFFFC000  }
0x2d: {  	[spmem:s3] =	stream.indirect.scatter.add.f32 [tilespmem:s20], [sflag:$0x1], $0x80, s31, s19, $0xb8;
	[tilespmem:$0x18900] =	vst v63  }
0x2e: {  	_ =	swait.ge [sflag:s17], $0x4000  }
0x2f: {  	s23 =	simm.s32 $0x400;
	s22 =	simm.s32 $0x80;
	[sflag:s17] =	ssyncset.done $0x0  }
.LBB2_3:
0x30: {  	s24 =	sadd.s32 $0x13900, s22  }
0x31: {  	[sflag:s17] =	ssyncadd.s32 $0xFFFFC000;
	s25 =	smov.u32 s23;
	s26 =	sadd.s32 $0x200, s23  }
0x32: {  	[tilespmem:s20], [sflag:$0x1] =	stream.indirect.gather [hbm4b:s5+s19], $0x80, s24, s19, $0xb8;
	[tilespmem:$0x18900] =	vst v63  }
0x33: {  	p1 =	sne.s32 s23, $0x1E00;
	_ =	swait.ge [sflag:s17], $0x4000  }
.Ltmp0:
0x34: {  	[sflag:s17] =	ssyncset.done $0x0;
	(pc) =	sbr.rel @p1 .LBB2_3-.Ltmp0, $4  }
0x35: {  	s22 =	sadd.s32 $0x14100, s22;
	[sflag:s17] =	ssyncadd.s32 $0xFFFFC000  }
0x36: {  	[spmem:s3] =	stream.indirect.scatter.add.f32 [tilespmem:s20], [sflag:$0x1], $0x80, s22, s19, $0xb8;
	[tilespmem:$0x18900] =	vst v63  }
0x37: {  	_ =	swait.ge [sflag:s17], $0x4000  }
0x38: {  	s23 =	smov.u32 s26;
	s22 =	sshra.s32 s25, $0x2;
	[sflag:s17] =	ssyncset.done $0x0  }
0x39: {  	s23 =	sadd.s32 $0x13900, s22;
	[sflag:s17] =	ssyncadd.s32 $0xFFFFC000  }
0x3a: {  	[tilespmem:s20], [sflag:$0x1] =	stream.indirect.gather [hbm4b:s5+s19], $0x80, s23, s19, $0xb8;
	[tilespmem:$0x18900] =	vst v63  }
0x3b: {  	s21 =	sadd.s32 $0x1, s21;
	_ =	swait.ge [sflag:s17], $0x4000  }
0x3c: {  	p1 =	sne.s32 s21, $0xA;
	[sflag:s17] =	ssyncset.done $0x0  }
.Ltmp1:
0x3d: {  	s31 =	sadd.s32 $0x14100, s22;
	[sflag:s17] =	ssyncadd.s32 $0xFFFFC000;
	(pc) =	sbr.rel @p1 .LBB2_2-.Ltmp1, $4  }
0x3e: {  	[spmem:s3] =	stream.indirect.scatter.add.f32 [tilespmem:s20], [sflag:$0x1], $0x80, s31, s19, $0xb8;
	[tilespmem:$0x18900] =	vst v63  }
0x3f: {  	_ =	swait.ge [sflag:s17], $0x4000  }
0x40: {  	[sflag:s17] =	ssyncset.done $0x0  }
0x41: {  	[sflag:s17] =	ssyncadd.s32 $0xFFFFC000  }
0x42: {  	[bflag:$0x0] =	sbarrier.arrive $0xFFFF;
	s21 =	simm.s32 @p0 $0x1FC1  }
0x43: {  	[hbm:s11], [sflag:s21] =	dma.local @p0 [spmem:s13], $0x2800  }
0x44: {  	s21 =	simm.s32 @p0 $0x1  }
0x45: {  	s4 =	sadd.s32 $0x1, s4;
	_ =	swait.ge @p0 [sflag:s21], $0x2800  }
0x46: {  	p1 =	sne.s32 s4, s12;
	[sflag:s21] =	ssyncset.done @p0 $0x0  }
.Ltmp2:
0x47: {  	[sflag:s21] =	ssyncadd.s32 @p0 $0xFFFFD800;
	s21 =	simm.s32 @!p0 $0x1;
	(pc) =	sbr.rel @p1 .LBB2_1-.Ltmp2, $4  }
0x48: {  	[hbm:s10], [sflag:s14] =	dma.local @!p0 [spmem:s15], $0x2700  }
0x49: {  	_ =	swait.ge @!p0 [sflag:s21], $0x2700  }
0x4a: {  	[sflag:s21] =	ssyncset.done @!p0 $0x0  }
0x4b: {  	[sflag:s21] =	ssyncadd.s32 @!p0 $0xFFFFD900  }
0x4c: {  	_ =	sfence.sel $0x180000  }
0x4d: {  	[bflag:$0x0] =	sbarrier.arrive $0xFFFF  }
0x4e: {  	p0 =	sne.s32 s2, $0x0;
	_ =	strace $0x9000004D  }
0x4f: {  	s0 =	sadd.s32 @!p0 $0x100000, s0;
	[bflag:$0x2] =	sbarrier.arrive $0xFFFF  }
0x50: {  	[sflag:s0] =	ssyncadd.tile.s32 @!p0 $0x1;
	_ =	shalt  }
.Lfunc_end2:
_tile_overlayer_lowered:
.L_overlay_start_2:
0x51: {  	(tag) =	ssettag $0x2  }
0x52: {  	s0 =	rddreg [dreg:$0x0];
	s2 =	stileid.u32  }
0x53: {  	s1 =	rddreg [dreg:$0x1];
	p0 =	sne.s32 s2, $0x0  }
0x54: {  	s3 =	rddreg [dreg:$0x2];
	[bflag:$0x3] =	sbarrier.arrive $0xFFFF;
	s2 =	simm.s32 @!p0 $0x1C01  }
0x55: {  	[timem:s3], [sflag:s2] =	dma.local @!p0 [hbm:s0], s1  }
0x56: {  	s0 =	simm.s32 @!p0 $0x1  }
0x57: {  	_ =	swait.ge @!p0 [sflag:s0], s1  }
0x58: {  	s1 =	ssub.s32 @!p0 $0x0, s1;
	[sflag:s0] =	ssyncset.done @!p0 $0x0  }
0x59: {  	[sflag:s0] =	ssyncadd.s32 @!p0 s1  }
0x5a: {  	[bflag:$0x3] =	sbarrier.arrive $0xFFFF  }
0x5b: {  	_ =	shalt  }

</sc_bundles>
